<compile_context>
chip_gen: v7x
topology: tpu7x:2x2x1
jax: 0.10.2.dev20260603
libtpu: 0.0.44.dev20260713+nightly
codegen_flags: <defaults>
</compile_context>

<pallas_src>
import functools

import jax
import jax.numpy as jnp
from jax import lax
from jax.experimental import pallas as pl
from jax.experimental.pallas import tpu as pltpu
from jax.experimental.pallas import tpu_sc as plsc

N = 8192
D = 64
B = 4608
BR = 1152
G = B // BR
CH = 2048
NCH = N // CH
NG = CH // 128
NW = 32
BPW = B // NW
CPT = N // NW
HALF = BPW // 2
DP = 128


def _argmin_kernel(x_ref, e_ref, idx_ref, epad_ref):
    x = x_ref[...]
    a = jnp.sum(x ** 2, axis=1, keepdims=True)
    rv = jnp.full((BR, 128), jnp.inf, jnp.float32)
    rg = jnp.zeros((BR, 128), jnp.int32)
    for c in range(NCH):
        e = e_ref[c * CH:(c + 1) * CH, :]
        b = jnp.sum(e ** 2, axis=1)
        prod2 = lax.dot_general(x, e + e, (((1,), (1,)), ((), ())),
                                preferred_element_type=jnp.float32)
        for g in range(NG):
            dsub = (a + b[g * 128:(g + 1) * 128][None, :]) \
                - prod2[:, g * 128:(g + 1) * 128]
            upd = dsub < rv
            rv = jnp.where(upd, dsub, rv)
            rg = jnp.where(upd, c * NG + g, rg)
    gidx = rg * 128 + lax.broadcasted_iota(jnp.int32, (BR, 128), 1)
    gmin = jnp.min(rv, axis=1)
    cand = jnp.where(rv == gmin[:, None], gidx, N)
    idx_ref[0, 0, :] = jnp.min(cand, axis=1)

    @pl.when(pl.program_id(0) == 0)
    def _():
        epad_ref[:, :D] = e_ref[...]
        epad_ref[:, D:] = jnp.zeros((N, DP - D), jnp.float32)


_argmin_call = pl.pallas_call(
    _argmin_kernel,
    grid=(G,),
    in_specs=[pl.BlockSpec((BR, D), lambda i: (i, 0)),
              pl.BlockSpec((N, D), lambda i: (0, 0))],
    out_specs=[pl.BlockSpec((1, 1, BR), lambda i: (i, 0, 0)),
               pl.BlockSpec((N, DP), lambda i: (0, 0))],
    out_shape=[jax.ShapeDtypeStruct((G, 1, BR), jnp.int32),
               jax.ShapeDtypeStruct((N, DP), jnp.float32)],
)


@functools.cache
def _make_sc_gather_hist():
    mesh = plsc.VectorSubcoreMesh(core_axis_name="c", subcore_axis_name="s")
    num_cores = mesh.num_cores

    @functools.partial(
        pl.kernel,
        mesh=mesh,
        out_type=[jax.ShapeDtypeStruct((B, DP), jnp.float32),
                  jax.ShapeDtypeStruct((N,), jnp.float32)],
        scratch_types=[pltpu.VMEM((HALF,), jnp.int32),
                       pltpu.VMEM((HALF,), jnp.int32),
                       pltpu.VMEM((HALF, DP), jnp.float32),
                       pltpu.VMEM((HALF, DP), jnp.float32),
                       pltpu.VMEM((B,), jnp.int32),
                       pltpu.VMEM((CPT,), jnp.float32),
                       pltpu.SemaphoreType.DMA],
        compiler_params=pltpu.CompilerParams(needs_layout_passes=False),
    )
    def _sc_gather_hist(emb_hbm, idx_hbm, q_hbm, cnt_hbm,
                        idx_a, idx_b, rows_a, rows_b, idx_all, cnt_v, sem):
        wid = lax.axis_index("s") * num_cores + lax.axis_index("c")
        base = wid * BPW
        pltpu.sync_copy(idx_hbm.at[pl.ds(base, HALF)], idx_a)
        pltpu.sync_copy(idx_hbm.at[pl.ds(base + HALF, HALF)], idx_b)
        ca = pltpu.async_copy(emb_hbm.at[idx_a], rows_a, sem)
        cb = pltpu.async_copy(emb_hbm.at[idx_b], rows_b, sem)
        pltpu.sync_copy(idx_hbm, idx_all)
        ca.wait()
        cb.wait()
        pltpu.sync_copy(rows_a, q_hbm.at[pl.ds(base, HALF)])
        pltpu.sync_copy(rows_b, q_hbm.at[pl.ds(base + HALF, HALF)])
        lo = wid * CPT
        zeros16 = jnp.zeros((16,), jnp.float32)
        for k in range(CPT // 16):
            cnt_v[pl.ds(k * 16, 16)] = zeros16
        ones16 = jnp.ones((16,), jnp.float32)
        UNROLL = 8

        def body(i, carry):
            for u in range(UNROLL):
                v = idx_all[pl.ds((i * UNROLL + u) * 16, 16)]
                rel = v - lo
                msk = (rel >= 0) & (rel < CPT)
                relc = jnp.clip(rel, 0, CPT - 1)
                plsc.addupdate_scatter(cnt_v, [relc], ones16, mask=msk)
            return carry

        lax.fori_loop(0, B // (16 * UNROLL), body, 0)
        pltpu.sync_copy(cnt_v, cnt_hbm.at[pl.ds(lo, CPT)])

    return _sc_gather_hist


def _loss_kernel(x_ref, q_ref, cnt_ref, quant_ref, avgp_ref, scal_ref):
    xv = x_ref[...]
    qv = q_ref[...]
    diff = qv - xv
    quant_ref[...] = xv + diff
    mse = jnp.sum(diff ** 2) / float(B * D)
    p = cnt_ref[...] / float(B)
    avgp_ref[...] = p
    ent = jnp.sum(p * jnp.log(p + 1e-5))
    perp = jnp.exp(-ent)
    vq = (mse + 0.25 * mse) + 0.1 * ent
    scal_ref[0:1, :] = jnp.full((1, 128), mse, jnp.float32)
    scal_ref[1:2, :] = jnp.full((1, 128), ent, jnp.float32)
    scal_ref[2:3, :] = jnp.full((1, 128), perp, jnp.float32)
    scal_ref[3:4, :] = jnp.full((1, 128), vq, jnp.float32)
    scal_ref[4:8, :] = jnp.zeros((4, 128), jnp.float32)


_loss_call = pl.pallas_call(
    _loss_kernel,
    grid=(1,),
    in_specs=[pl.BlockSpec((B, D), lambda i: (0, 0)),
              pl.BlockSpec((B, D), lambda i: (0, 0)),
              pl.BlockSpec((N,), lambda i: (0,))],
    out_specs=[pl.BlockSpec((B, D), lambda i: (0, 0)),
               pl.BlockSpec((N,), lambda i: (0,)),
               pl.BlockSpec((8, 128), lambda i: (0, 0))],
    out_shape=[jax.ShapeDtypeStruct((B, D), jnp.float32),
               jax.ShapeDtypeStruct((N,), jnp.float32),
               jax.ShapeDtypeStruct((8, 128), jnp.float32)],
)


def kernel(x, embedding):
    input_shape = x.shape
    flat_x = x.reshape(-1, D)
    idx3, emb_pad = _argmin_call(flat_x, embedding)
    idx = idx3.reshape(-1)
    q_pad, counts = _make_sc_gather_hist()(emb_pad, idx)
    quant, avgp, scal = _loss_call(flat_x, q_pad[:, :D], counts)
    quantized = quant.reshape(input_shape)
    mse = scal[0, 0]
    ent = scal[1, 0]
    perp = scal[2, 0]
    vq = scal[3, 0]
    enc_idx = idx.reshape(input_shape[:-1])
    return (quantized, vq, mse, mse, perp, ent, enc_idx, avgp)

# --- scband reference (transcript-rebuilt; emitter-appended) ---
"""Pipeline reference for scband-vector-quantizer-46823733461505 (READ-ONLY COPY).

The authoritative reference and input builder live on the scoring server;
editing this copy changes nothing except your own understanding.
"""

import jax, jax.numpy as jnp
import numpy as np

NUM_EMBEDDINGS = 8192
EMBEDDING_DIM = 64
COMMITMENT_COST = 0.25
EPSILON = 1e-05
ENTROPY_LOSS_WEIGHT = 0.1


def setup_inputs(seed: int = 0) -> dict:
    key = jax.random.key(seed)
    k1, k2 = jax.random.split(key)
    x = jax.random.normal(k1, (8, 576, 64), dtype=jnp.float32)
    # flax variance_scaling(scale=1.0, mode='fan_in', distribution='uniform') on (N, D):
    # default in_axis=-2 -> fan_in = NUM_EMBEDDINGS; uniform limit = sqrt(3 * scale / fan_in)
    limit = float(np.sqrt(3.0 / NUM_EMBEDDINGS))
    embedding = jax.random.uniform(k2, (NUM_EMBEDDINGS, EMBEDDING_DIM), dtype=jnp.float32, minval=-limit, maxval=limit)
    return {"x": x, "embedding": embedding}


def reference(x, embedding):
    input_shape = x.shape
    flat_x = x.reshape(-1, EMBEDDING_DIM)
    distances = (jnp.sum(flat_x ** 2, axis=1, keepdims=True)
                 + jnp.sum(embedding ** 2, axis=1)
                 - 2.0 * jnp.matmul(flat_x, embedding.T))
    encoding_indices = jnp.argmin(distances, axis=1)
    quantized_flat = embedding[encoding_indices]
    quantized = quantized_flat.reshape(input_shape)
    commitment_loss = jnp.mean((jax.lax.stop_gradient(quantized) - x) ** 2)
    codebook_loss = jnp.mean((quantized - jax.lax.stop_gradient(x)) ** 2)
    quantized = x + jax.lax.stop_gradient(quantized - x)
    encodings = jax.nn.one_hot(encoding_indices, NUM_EMBEDDINGS)
    avg_probs = jnp.mean(encodings, axis=0)
    perplexity = jnp.exp(-jnp.sum(avg_probs * jnp.log(avg_probs + EPSILON)))
    entropy_loss = jnp.sum(avg_probs * jnp.log(avg_probs + EPSILON))
    vq_loss = codebook_loss + COMMITMENT_COST * commitment_loss + ENTROPY_LOSS_WEIGHT * entropy_loss
    enc_idx = encoding_indices.reshape(input_shape[:-1])
    return (quantized, vq_loss, commitment_loss, codebook_loss, perplexity, entropy_loss, enc_idx, avg_probs)

if __name__ == "__main__":
    import jax
    _d = setup_inputs()
    print(jax.jit(kernel)(*tuple(_d.values())))

</pallas_src>

<mosaic_0001>
#map = affine_map<(d0, d1) -> (0, 0)>
#map1 = affine_map<(d0, d1) -> (0)>
module attributes {stable_mosaic.version = 14 : i64} {
  func.func @_sc_gather_hist(%arg0: i32, %arg1: i32, %arg2: memref<8192x128xf32, #tpu.memory_space<hbm>>, %arg3: memref<4608xi32, #tpu.memory_space<hbm>>, %arg4: memref<4608x128xf32, #tpu.memory_space<hbm>>, %arg5: memref<8192xf32, #tpu.memory_space<hbm>>, %arg6: memref<72xi32, #tpu.memory_space<vmem>>, %arg7: memref<72xi32, #tpu.memory_space<vmem>>, %arg8: memref<72x128xf32, #tpu.memory_space<vmem>>, %arg9: memref<72x128xf32, #tpu.memory_space<vmem>>, %arg10: memref<4608xi32, #tpu.memory_space<vmem>>, %arg11: memref<256xf32, #tpu.memory_space<vmem>>, %arg12: memref<!tpu.dma_semaphore, #tpu.memory_space<semaphore_mem>>) attributes {dimension_semantics = [#tpu.dimension_semantics<core_parallel>, #tpu.dimension_semantics<subcore_parallel>], iteration_bounds = array<i64: 2, 16>, scalar_prefetch = 0 : i64, scratch_operands = 7 : i64, tpu.core_type = #tpu.core_type<sc_vector_subcore>, window_params = [{transform_indices = #map}, {transform_indices = #map1}, {transform_indices = #map}, {transform_indices = #map1}]} {
    %mul3A = arith.constant 2 : i32
    %mul3A_0 = arith.muli %arg1, %mul3A : i32
    %add3A = arith.addi %mul3A_0, %arg0 : i32
    %mul3A_1 = arith.constant 144 : i32
    %mul3A_2 = arith.muli %add3A, %mul3A_1 : i32
    "tpu.region"() ({
      %run_scoped3A = tpu.sem_alloc : memref<!tpu.dma_semaphore, #tpu.memory_space<semaphore_mem>>
      %dma_start3A_58 = tpu.memref_slice %arg3[%mul3A_2] : memref<4608xi32, #tpu.memory_space<hbm>> -> memref<72xi32, #tpu.memory_space<hbm>>
      %dma_start3A_59 = tpu.memref_slice %arg3[%mul3A_2] : memref<4608xi32, #tpu.memory_space<hbm>> -> memref<72xi32, #tpu.memory_space<hbm>>
      tpu.enqueue_dma source(%dma_start3A_59 : memref<72xi32, #tpu.memory_space<hbm>>) target(%arg6 : memref<72xi32, #tpu.memory_space<vmem>>) target_semaphore(%run_scoped3A : memref<!tpu.dma_semaphore, #tpu.memory_space<semaphore_mem>>)
      %dma_wait3A_60 = tpu.memref_slice %arg3[%mul3A_2] : memref<4608xi32, #tpu.memory_space<hbm>> -> memref<72xi32, #tpu.memory_space<hbm>>
      %dma_wait3A_61 = tpu.memref_slice %arg3[%mul3A_2] : memref<4608xi32, #tpu.memory_space<hbm>> -> memref<72xi32, #tpu.memory_space<hbm>>
      tpu.wait_dma2 semaphore(%run_scoped3A : memref<!tpu.dma_semaphore, #tpu.memory_space<semaphore_mem>>) src(%dma_wait3A_61 : memref<72xi32, #tpu.memory_space<hbm>>) dst(%arg6 : memref<72xi32, #tpu.memory_space<vmem>>)
      tpu.yield
    }) : () -> ()
    %add3A_3 = arith.constant 72 : i32
    %add3A_4 = arith.addi %mul3A_2, %add3A_3 : i32
    "tpu.region"() ({
      %run_scoped3A = tpu.sem_alloc : memref<!tpu.dma_semaphore, #tpu.memory_space<semaphore_mem>>
      %dma_start3A_58 = tpu.memref_slice %arg3[%add3A_4] : memref<4608xi32, #tpu.memory_space<hbm>> -> memref<72xi32, #tpu.memory_space<hbm>>
      %dma_start3A_59 = tpu.memref_slice %arg3[%add3A_4] : memref<4608xi32, #tpu.memory_space<hbm>> -> memref<72xi32, #tpu.memory_space<hbm>>
      tpu.enqueue_dma source(%dma_start3A_59 : memref<72xi32, #tpu.memory_space<hbm>>) target(%arg7 : memref<72xi32, #tpu.memory_space<vmem>>) target_semaphore(%run_scoped3A : memref<!tpu.dma_semaphore, #tpu.memory_space<semaphore_mem>>)
      %dma_wait3A_60 = tpu.memref_slice %arg3[%add3A_4] : memref<4608xi32, #tpu.memory_space<hbm>> -> memref<72xi32, #tpu.memory_space<hbm>>
      %dma_wait3A_61 = tpu.memref_slice %arg3[%add3A_4] : memref<4608xi32, #tpu.memory_space<hbm>> -> memref<72xi32, #tpu.memory_space<hbm>>
      tpu.wait_dma2 semaphore(%run_scoped3A : memref<!tpu.dma_semaphore, #tpu.memory_space<semaphore_mem>>) src(%dma_wait3A_61 : memref<72xi32, #tpu.memory_space<hbm>>) dst(%arg7 : memref<72xi32, #tpu.memory_space<vmem>>)
      tpu.yield
    }) : () -> ()
    %dma_start3A = arith.constant 0 : i32
    %dma_start3A_5 = arith.constant 0 : i32
    %dma_start3A_6 = tpu.memref_slice %arg2[%dma_start3A, %dma_start3A_5] : memref<8192x128xf32, #tpu.memory_space<hbm>> -> memref<8192x128xf32, #tpu.memory_space<hbm>>
    tpu.enqueue_indirect_dma source(%dma_start3A_6 : memref<8192x128xf32, #tpu.memory_space<hbm>>) target(%arg8 : memref<72x128xf32, #tpu.memory_space<vmem>>) offsets(%arg6 : memref<72xi32, #tpu.memory_space<vmem>>) semaphore(%arg12 : memref<!tpu.dma_semaphore, #tpu.memory_space<semaphore_mem>>)
    %dma_start3A_7 = arith.constant 0 : i32
    %dma_start3A_8 = arith.constant 0 : i32
    %dma_start3A_9 = tpu.memref_slice %arg2[%dma_start3A_7, %dma_start3A_8] : memref<8192x128xf32, #tpu.memory_space<hbm>> -> memref<8192x128xf32, #tpu.memory_space<hbm>>
    tpu.enqueue_indirect_dma source(%dma_start3A_9 : memref<8192x128xf32, #tpu.memory_space<hbm>>) target(%arg9 : memref<72x128xf32, #tpu.memory_space<vmem>>) offsets(%arg7 : memref<72xi32, #tpu.memory_space<vmem>>) semaphore(%arg12 : memref<!tpu.dma_semaphore, #tpu.memory_space<semaphore_mem>>)
    "tpu.region"() ({
      %run_scoped3A = tpu.sem_alloc : memref<!tpu.dma_semaphore, #tpu.memory_space<semaphore_mem>>
      tpu.enqueue_dma source(%arg3 : memref<4608xi32, #tpu.memory_space<hbm>>) target(%arg10 : memref<4608xi32, #tpu.memory_space<vmem>>) target_semaphore(%run_scoped3A : memref<!tpu.dma_semaphore, #tpu.memory_space<semaphore_mem>>)
      tpu.wait_dma2 semaphore(%run_scoped3A : memref<!tpu.dma_semaphore, #tpu.memory_space<semaphore_mem>>) src(%arg3 : memref<4608xi32, #tpu.memory_space<hbm>>) dst(%arg10 : memref<4608xi32, #tpu.memory_space<vmem>>)
      tpu.yield
    }) : () -> ()
    %dma_wait3A = arith.constant 0 : i32
    %dma_wait3A_10 = arith.constant 0 : i32
    %dma_wait3A_11 = tpu.memref_slice %arg2[%dma_wait3A, %dma_wait3A_10] : memref<8192x128xf32, #tpu.memory_space<hbm>> -> memref<8192x128xf32, #tpu.memory_space<hbm>>
    tpu.wait_indirect_dma semaphore(%arg12 : memref<!tpu.dma_semaphore, #tpu.memory_space<semaphore_mem>>) src(%dma_wait3A_11 : memref<8192x128xf32, #tpu.memory_space<hbm>>) dst(%arg8 : memref<72x128xf32, #tpu.memory_space<vmem>>)
    %dma_wait3A_12 = arith.constant 0 : i32
    %dma_wait3A_13 = arith.constant 0 : i32
    %dma_wait3A_14 = tpu.memref_slice %arg2[%dma_wait3A_12, %dma_wait3A_13] : memref<8192x128xf32, #tpu.memory_space<hbm>> -> memref<8192x128xf32, #tpu.memory_space<hbm>>
    tpu.wait_indirect_dma semaphore(%arg12 : memref<!tpu.dma_semaphore, #tpu.memory_space<semaphore_mem>>) src(%dma_wait3A_14 : memref<8192x128xf32, #tpu.memory_space<hbm>>) dst(%arg9 : memref<72x128xf32, #tpu.memory_space<vmem>>)
    "tpu.region"() ({
      %run_scoped3A = tpu.sem_alloc : memref<!tpu.dma_semaphore, #tpu.memory_space<semaphore_mem>>
      %dma_start3A_58 = arith.constant 0 : i32
      %dma_start3A_59 = tpu.memref_slice %arg4[%mul3A_2, %dma_start3A_58] : memref<4608x128xf32, #tpu.memory_space<hbm>> -> memref<72x128xf32, #tpu.memory_space<hbm>>
      %dma_start3A_60 = arith.constant 0 : i32
      %dma_start3A_61 = tpu.memref_slice %arg4[%mul3A_2, %dma_start3A_60] : memref<4608x128xf32, #tpu.memory_space<hbm>> -> memref<72x128xf32, #tpu.memory_space<hbm>>
      tpu.enqueue_dma source(%arg8 : memref<72x128xf32, #tpu.memory_space<vmem>>) target(%dma_start3A_61 : memref<72x128xf32, #tpu.memory_space<hbm>>) target_semaphore(%run_scoped3A : memref<!tpu.dma_semaphore, #tpu.memory_space<semaphore_mem>>)
      %dma_wait3A_62 = arith.constant 0 : i32
      %dma_wait3A_63 = tpu.memref_slice %arg4[%mul3A_2, %dma_wait3A_62] : memref<4608x128xf32, #tpu.memory_space<hbm>> -> memref<72x128xf32, #tpu.memory_space<hbm>>
      %dma_wait3A_64 = arith.constant 0 : i32
      %dma_wait3A_65 = tpu.memref_slice %arg4[%mul3A_2, %dma_wait3A_64] : memref<4608x128xf32, #tpu.memory_space<hbm>> -> memref<72x128xf32, #tpu.memory_space<hbm>>
      tpu.wait_dma2 semaphore(%run_scoped3A : memref<!tpu.dma_semaphore, #tpu.memory_space<semaphore_mem>>) src(%arg8 : memref<72x128xf32, #tpu.memory_space<vmem>>) dst(%dma_wait3A_65 : memref<72x128xf32, #tpu.memory_space<hbm>>)
      tpu.yield
    }) : () -> ()
    %add3A_15 = arith.constant 72 : i32
    %add3A_16 = arith.addi %mul3A_2, %add3A_15 : i32
    "tpu.region"() ({
      %run_scoped3A = tpu.sem_alloc : memref<!tpu.dma_semaphore, #tpu.memory_space<semaphore_mem>>
      %dma_start3A_58 = arith.constant 0 : i32
      %dma_start3A_59 = tpu.memref_slice %arg4[%add3A_16, %dma_start3A_58] : memref<4608x128xf32, #tpu.memory_space<hbm>> -> memref<72x128xf32, #tpu.memory_space<hbm>>
      %dma_start3A_60 = arith.constant 0 : i32
      %dma_start3A_61 = tpu.memref_slice %arg4[%add3A_16, %dma_start3A_60] : memref<4608x128xf32, #tpu.memory_space<hbm>> -> memref<72x128xf32, #tpu.memory_space<hbm>>
      tpu.enqueue_dma source(%arg9 : memref<72x128xf32, #tpu.memory_space<vmem>>) target(%dma_start3A_61 : memref<72x128xf32, #tpu.memory_space<hbm>>) target_semaphore(%run_scoped3A : memref<!tpu.dma_semaphore, #tpu.memory_space<semaphore_mem>>)
      %dma_wait3A_62 = arith.constant 0 : i32
      %dma_wait3A_63 = tpu.memref_slice %arg4[%add3A_16, %dma_wait3A_62] : memref<4608x128xf32, #tpu.memory_space<hbm>> -> memref<72x128xf32, #tpu.memory_space<hbm>>
      %dma_wait3A_64 = arith.constant 0 : i32
      %dma_wait3A_65 = tpu.memref_slice %arg4[%add3A_16, %dma_wait3A_64] : memref<4608x128xf32, #tpu.memory_space<hbm>> -> memref<72x128xf32, #tpu.memory_space<hbm>>
      tpu.wait_dma2 semaphore(%run_scoped3A : memref<!tpu.dma_semaphore, #tpu.memory_space<semaphore_mem>>) src(%arg9 : memref<72x128xf32, #tpu.memory_space<vmem>>) dst(%dma_wait3A_65 : memref<72x128xf32, #tpu.memory_space<hbm>>)
      tpu.yield
    }) : () -> ()
    %mul3A_17 = arith.constant 256 : i32
    %mul3A_18 = arith.muli %add3A, %mul3A_17 : i32
    %broadcast_in_dim3A = arith.constant 0.000000e+00 : f32
    %broadcast_in_dim3A_19 = vector.broadcast %broadcast_in_dim3A : f32 to vector<16xf32>
    %swap3A = arith.constant 0 : index
    %swap3A_20 = tpu.vector_load %arg11[%swap3A] {strides = array<i32>} : memref<256xf32, #tpu.memory_space<vmem>>, vector<16xf32>,
    tpu.vector_store %arg11[%swap3A], %broadcast_in_dim3A_19 {strides = array<i32>} : memref<256xf32, #tpu.memory_space<vmem>>, vector<16xf32>,
    %swap3A_21 = arith.constant 16 : index
    %swap3A_22 = tpu.vector_load %arg11[%swap3A_21] {strides = array<i32>} : memref<256xf32, #tpu.memory_space<vmem>>, vector<16xf32>,
    tpu.vector_store %arg11[%swap3A_21], %broadcast_in_dim3A_19 {strides = array<i32>} : memref<256xf32, #tpu.memory_space<vmem>>, vector<16xf32>,
    %swap3A_23 = arith.constant 32 : index
    %swap3A_24 = tpu.vector_load %arg11[%swap3A_23] {strides = array<i32>} : memref<256xf32, #tpu.memory_space<vmem>>, vector<16xf32>,
    tpu.vector_store %arg11[%swap3A_23], %broadcast_in_dim3A_19 {strides = array<i32>} : memref<256xf32, #tpu.memory_space<vmem>>, vector<16xf32>,
    %swap3A_25 = arith.constant 48 : index
    %swap3A_26 = tpu.vector_load %arg11[%swap3A_25] {strides = array<i32>} : memref<256xf32, #tpu.memory_space<vmem>>, vector<16xf32>,
    tpu.vector_store %arg11[%swap3A_25], %broadcast_in_dim3A_19 {strides = array<i32>} : memref<256xf32, #tpu.memory_space<vmem>>, vector<16xf32>,
    %swap3A_27 = arith.constant 64 : index
    %swap3A_28 = tpu.vector_load %arg11[%swap3A_27] {strides = array<i32>} : memref<256xf32, #tpu.memory_space<vmem>>, vector<16xf32>,
    tpu.vector_store %arg11[%swap3A_27], %broadcast_in_dim3A_19 {strides = array<i32>} : memref<256xf32, #tpu.memory_space<vmem>>, vector<16xf32>,
    %swap3A_29 = arith.constant 80 : index
    %swap3A_30 = tpu.vector_load %arg11[%swap3A_29] {strides = array<i32>} : memref<256xf32, #tpu.memory_space<vmem>>, vector<16xf32>,
    tpu.vector_store %arg11[%swap3A_29], %broadcast_in_dim3A_19 {strides = array<i32>} : memref<256xf32, #tpu.memory_space<vmem>>, vector<16xf32>,
    %swap3A_31 = arith.constant 96 : index
    %swap3A_32 = tpu.vector_load %arg11[%swap3A_31] {strides = array<i32>} : memref<256xf32, #tpu.memory_space<vmem>>, vector<16xf32>,
    tpu.vector_store %arg11[%swap3A_31], %broadcast_in_dim3A_19 {strides = array<i32>} : memref<256xf32, #tpu.memory_space<vmem>>, vector<16xf32>,
    %swap3A_33 = arith.constant 112 : index
    %swap3A_34 = tpu.vector_load %arg11[%swap3A_33] {strides = array<i32>} : memref<256xf32, #tpu.memory_space<vmem>>, vector<16xf32>,
    tpu.vector_store %arg11[%swap3A_33], %broadcast_in_dim3A_19 {strides = array<i32>} : memref<256xf32, #tpu.memory_space<vmem>>, vector<16xf32>,
    %swap3A_35 = arith.constant 128 : index
    %swap3A_36 = tpu.vector_load %arg11[%swap3A_35] {strides = array<i32>} : memref<256xf32, #tpu.memory_space<vmem>>, vector<16xf32>,
    tpu.vector_store %arg11[%swap3A_35], %broadcast_in_dim3A_19 {strides = array<i32>} : memref<256xf32, #tpu.memory_space<vmem>>, vector<16xf32>,
    %swap3A_37 = arith.constant 144 : index
    %swap3A_38 = tpu.vector_load %arg11[%swap3A_37] {strides = array<i32>} : memref<256xf32, #tpu.memory_space<vmem>>, vector<16xf32>,
    tpu.vector_store %arg11[%swap3A_37], %broadcast_in_dim3A_19 {strides = array<i32>} : memref<256xf32, #tpu.memory_space<vmem>>, vector<16xf32>,
    %swap3A_39 = arith.constant 160 : index
    %swap3A_40 = tpu.vector_load %arg11[%swap3A_39] {strides = array<i32>} : memref<256xf32, #tpu.memory_space<vmem>>, vector<16xf32>,
    tpu.vector_store %arg11[%swap3A_39], %broadcast_in_dim3A_19 {strides = array<i32>} : memref<256xf32, #tpu.memory_space<vmem>>, vector<16xf32>,
    %swap3A_41 = arith.constant 176 : index
    %swap3A_42 = tpu.vector_load %arg11[%swap3A_41] {strides = array<i32>} : memref<256xf32, #tpu.memory_space<vmem>>, vector<16xf32>,
    tpu.vector_store %arg11[%swap3A_41], %broadcast_in_dim3A_19 {strides = array<i32>} : memref<256xf32, #tpu.memory_space<vmem>>, vector<16xf32>,
    %swap3A_43 = arith.constant 192 : index
    %swap3A_44 = tpu.vector_load %arg11[%swap3A_43] {strides = array<i32>} : memref<256xf32, #tpu.memory_space<vmem>>, vector<16xf32>,
    tpu.vector_store %arg11[%swap3A_43], %broadcast_in_dim3A_19 {strides = array<i32>} : memref<256xf32, #tpu.memory_space<vmem>>, vector<16xf32>,
    %swap3A_45 = arith.constant 208 : index
    %swap3A_46 = tpu.vector_load %arg11[%swap3A_45] {strides = array<i32>} : memref<256xf32, #tpu.memory_space<vmem>>, vector<16xf32>,
    tpu.vector_store %arg11[%swap3A_45], %broadcast_in_dim3A_19 {strides = array<i32>} : memref<256xf32, #tpu.memory_space<vmem>>, vector<16xf32>,
    %swap3A_47 = arith.constant 224 : index
    %swap3A_48 = tpu.vector_load %arg11[%swap3A_47] {strides = array<i32>} : memref<256xf32, #tpu.memory_space<vmem>>, vector<16xf32>,
    tpu.vector_store %arg11[%swap3A_47], %broadcast_in_dim3A_19 {strides = array<i32>} : memref<256xf32, #tpu.memory_space<vmem>>, vector<16xf32>,
    %swap3A_49 = arith.constant 240 : index
    %swap3A_50 = tpu.vector_load %arg11[%swap3A_49] {strides = array<i32>} : memref<256xf32, #tpu.memory_space<vmem>>, vector<16xf32>,
    tpu.vector_store %arg11[%swap3A_49], %broadcast_in_dim3A_19 {strides = array<i32>} : memref<256xf32, #tpu.memory_space<vmem>>, vector<16xf32>,
    %broadcast_in_dim3A_51 = arith.constant 1.000000e+00 : f32
    %broadcast_in_dim3A_52 = vector.broadcast %broadcast_in_dim3A_51 : f32 to vector<16xf32>
    %scan3A = arith.constant 0 : i32
    %scan3A_53 = arith.constant 0 : i32
    %scan3A_54 = arith.constant 36 : i32
    %scan3A_55 = arith.addi %scan3A_53, %scan3A_54 : i32
    %scan3A_56 = arith.constant 1 : i32
    scf.for %scan3A_58 = %scan3A_53 to %scan3A_55 step %scan3A_56  : i32 {
      %mul3A_59 = arith.constant 8 : i32
      %mul3A_60 = arith.muli %scan3A_58, %mul3A_59 : i32
      %add3A_61 = arith.constant 0 : i32
      %add3A_62 = arith.addi %mul3A_60, %add3A_61 : i32
      %mul3A_63 = arith.constant 16 : i32
      %mul3A_64 = arith.muli %add3A_62, %mul3A_63 : i32
      %get3A = arith.index_cast %mul3A_64 : i32 to index
      %get3A_65 = tpu.vector_load %arg10[%get3A] {strides = array<i32>} : memref<4608xi32, #tpu.memory_space<vmem>>, vector<16xi32>,
      %sub3A = vector.broadcast %mul3A_18 : i32 to vector<16xi32>
      %sub3A_66 = arith.subi %get3A_65, %sub3A : vector<16xi32>
      %ge3A = arith.constant 0 : i32
      %ge3A_67 = vector.broadcast %ge3A : i32 to vector<16xi32>
      %ge3A_68 = arith.cmpi sge, %sub3A_66, %ge3A_67 : vector<16xi32>
      %lt3A = arith.constant 256 : i32
      %lt3A_69 = vector.broadcast %lt3A : i32 to vector<16xi32>
      %lt3A_70 = arith.cmpi slt, %sub3A_66, %lt3A_69 : vector<16xi32>
      %and3A = arith.andi %ge3A_68, %lt3A_70 : vector<16xi1>
      %jit3A = arith.constant 0 : i32
      %jit3A_71 = arith.constant 255 : i32
      %max3A = vector.broadcast %jit3A : i32 to vector<16xi32>
      %max3A_72 = arith.maxsi %max3A, %sub3A_66 : vector<16xi32>
      %min3A = vector.broadcast %jit3A_71 : i32 to vector<16xi32>
      %min3A_73 = arith.minsi %min3A, %max3A_72 : vector<16xi32>
      tpu.vector_store_idx %arg11[%min3A_73], %broadcast_in_dim3A_52 masked %and3A {add = true} : memref<256xf32, #tpu.memory_space<vmem>>[vector<16xi32>], vector<16xf32>, vector<16xi1>
      %mul3A_74 = arith.constant 8 : i32
      %mul3A_75 = arith.muli %scan3A_58, %mul3A_74 : i32
      %add3A_76 = arith.constant 1 : i32
      %add3A_77 = arith.addi %mul3A_75, %add3A_76 : i32
      %mul3A_78 = arith.constant 16 : i32
      %mul3A_79 = arith.muli %add3A_77, %mul3A_78 : i32
      %get3A_80 = arith.index_cast %mul3A_79 : i32 to index
      %get3A_81 = tpu.vector_load %arg10[%get3A_80] {strides = array<i32>} : memref<4608xi32, #tpu.memory_space<vmem>>, vector<16xi32>,
      %sub3A_82 = vector.broadcast %mul3A_18 : i32 to vector<16xi32>
      %sub3A_83 = arith.subi %get3A_81, %sub3A_82 : vector<16xi32>
      %ge3A_84 = arith.constant 0 : i32
      %ge3A_85 = vector.broadcast %ge3A_84 : i32 to vector<16xi32>
      %ge3A_86 = arith.cmpi sge, %sub3A_83, %ge3A_85 : vector<16xi32>
      %lt3A_87 = arith.constant 256 : i32
      %lt3A_88 = vector.broadcast %lt3A_87 : i32 to vector<16xi32>
      %lt3A_89 = arith.cmpi slt, %sub3A_83, %lt3A_88 : vector<16xi32>
      %and3A_90 = arith.andi %ge3A_86, %lt3A_89 : vector<16xi1>
      %jit3A_91 = arith.constant 0 : i32
      %jit3A_92 = arith.constant 255 : i32
      %max3A_93 = vector.broadcast %jit3A_91 : i32 to vector<16xi32>
      %max3A_94 = arith.maxsi %max3A_93, %sub3A_83 : vector<16xi32>
      %min3A_95 = vector.broadcast %jit3A_92 : i32 to vector<16xi32>
      %min3A_96 = arith.minsi %min3A_95, %max3A_94 : vector<16xi32>
      tpu.vector_store_idx %arg11[%min3A_96], %broadcast_in_dim3A_52 masked %and3A_90 {add = true} : memref<256xf32, #tpu.memory_space<vmem>>[vector<16xi32>], vector<16xf32>, vector<16xi1>
      %mul3A_97 = arith.constant 8 : i32
      %mul3A_98 = arith.muli %scan3A_58, %mul3A_97 : i32
      %add3A_99 = arith.constant 2 : i32
      %add3A_100 = arith.addi %mul3A_98, %add3A_99 : i32
      %mul3A_101 = arith.constant 16 : i32
      %mul3A_102 = arith.muli %add3A_100, %mul3A_101 : i32
      %get3A_103 = arith.index_cast %mul3A_102 : i32 to index
      %get3A_104 = tpu.vector_load %arg10[%get3A_103] {strides = array<i32>} : memref<4608xi32, #tpu.memory_space<vmem>>, vector<16xi32>,
      %sub3A_105 = vector.broadcast %mul3A_18 : i32 to vector<16xi32>
      %sub3A_106 = arith.subi %get3A_104, %sub3A_105 : vector<16xi32>
      %ge3A_107 = arith.constant 0 : i32
      %ge3A_108 = vector.broadcast %ge3A_107 : i32 to vector<16xi32>
      %ge3A_109 = arith.cmpi sge, %sub3A_106, %ge3A_108 : vector<16xi32>
      %lt3A_110 = arith.constant 256 : i32
      %lt3A_111 = vector.broadcast %lt3A_110 : i32 to vector<16xi32>
      %lt3A_112 = arith.cmpi slt, %sub3A_106, %lt3A_111 : vector<16xi32>
      %and3A_113 = arith.andi %ge3A_109, %lt3A_112 : vector<16xi1>
      %jit3A_114 = arith.constant 0 : i32
      %jit3A_115 = arith.constant 255 : i32
      %max3A_116 = vector.broadcast %jit3A_114 : i32 to vector<16xi32>
      %max3A_117 = arith.maxsi %max3A_116, %sub3A_106 : vector<16xi32>
      %min3A_118 = vector.broadcast %jit3A_115 : i32 to vector<16xi32>
      %min3A_119 = arith.minsi %min3A_118, %max3A_117 : vector<16xi32>
      tpu.vector_store_idx %arg11[%min3A_119], %broadcast_in_dim3A_52 masked %and3A_113 {add = true} : memref<256xf32, #tpu.memory_space<vmem>>[vector<16xi32>], vector<16xf32>, vector<16xi1>
      %mul3A_120 = arith.constant 8 : i32
      %mul3A_121 = arith.muli %scan3A_58, %mul3A_120 : i32
      %add3A_122 = arith.constant 3 : i32
      %add3A_123 = arith.addi %mul3A_121, %add3A_122 : i32
      %mul3A_124 = arith.constant 16 : i32
      %mul3A_125 = arith.muli %add3A_123, %mul3A_124 : i32
      %get3A_126 = arith.index_cast %mul3A_125 : i32 to index
      %get3A_127 = tpu.vector_load %arg10[%get3A_126] {strides = array<i32>} : memref<4608xi32, #tpu.memory_space<vmem>>, vector<16xi32>,
      %sub3A_128 = vector.broadcast %mul3A_18 : i32 to vector<16xi32>
      %sub3A_129 = arith.subi %get3A_127, %sub3A_128 : vector<16xi32>
      %ge3A_130 = arith.constant 0 : i32
      %ge3A_131 = vector.broadcast %ge3A_130 : i32 to vector<16xi32>
      %ge3A_132 = arith.cmpi sge, %sub3A_129, %ge3A_131 : vector<16xi32>
      %lt3A_133 = arith.constant 256 : i32
      %lt3A_134 = vector.broadcast %lt3A_133 : i32 to vector<16xi32>
      %lt3A_135 = arith.cmpi slt, %sub3A_129, %lt3A_134 : vector<16xi32>
      %and3A_136 = arith.andi %ge3A_132, %lt3A_135 : vector<16xi1>
      %jit3A_137 = arith.constant 0 : i32
      %jit3A_138 = arith.constant 255 : i32
      %max3A_139 = vector.broadcast %jit3A_137 : i32 to vector<16xi32>
      %max3A_140 = arith.maxsi %max3A_139, %sub3A_129 : vector<16xi32>
      %min3A_141 = vector.broadcast %jit3A_138 : i32 to vector<16xi32>
      %min3A_142 = arith.minsi %min3A_141, %max3A_140 : vector<16xi32>
      tpu.vector_store_idx %arg11[%min3A_142], %broadcast_in_dim3A_52 masked %and3A_136 {add = true} : memref<256xf32, #tpu.memory_space<vmem>>[vector<16xi32>], vector<16xf32>, vector<16xi1>
      %mul3A_143 = arith.constant 8 : i32
      %mul3A_144 = arith.muli %scan3A_58, %mul3A_143 : i32
      %add3A_145 = arith.constant 4 : i32
      %add3A_146 = arith.addi %mul3A_144, %add3A_145 : i32
      %mul3A_147 = arith.constant 16 : i32
      %mul3A_148 = arith.muli %add3A_146, %mul3A_147 : i32
      %get3A_149 = arith.index_cast %mul3A_148 : i32 to index
      %get3A_150 = tpu.vector_load %arg10[%get3A_149] {strides = array<i32>} : memref<4608xi32, #tpu.memory_space<vmem>>, vector<16xi32>,
      %sub3A_151 = vector.broadcast %mul3A_18 : i32 to vector<16xi32>
      %sub3A_152 = arith.subi %get3A_150, %sub3A_151 : vector<16xi32>
      %ge3A_153 = arith.constant 0 : i32
      %ge3A_154 = vector.broadcast %ge3A_153 : i32 to vector<16xi32>
      %ge3A_155 = arith.cmpi sge, %sub3A_152, %ge3A_154 : vector<16xi32>
      %lt3A_156 = arith.constant 256 : i32
      %lt3A_157 = vector.broadcast %lt3A_156 : i32 to vector<16xi32>
      %lt3A_158 = arith.cmpi slt, %sub3A_152, %lt3A_157 : vector<16xi32>
      %and3A_159 = arith.andi %ge3A_155, %lt3A_158 : vector<16xi1>
      %jit3A_160 = arith.constant 0 : i32
      %jit3A_161 = arith.constant 255 : i32
      %max3A_162 = vector.broadcast %jit3A_160 : i32 to vector<16xi32>
      %max3A_163 = arith.maxsi %max3A_162, %sub3A_152 : vector<16xi32>
      %min3A_164 = vector.broadcast %jit3A_161 : i32 to vector<16xi32>
      %min3A_165 = arith.minsi %min3A_164, %max3A_163 : vector<16xi32>
      tpu.vector_store_idx %arg11[%min3A_165], %broadcast_in_dim3A_52 masked %and3A_159 {add = true} : memref<256xf32, #tpu.memory_space<vmem>>[vector<16xi32>], vector<16xf32>, vector<16xi1>
      %mul3A_166 = arith.constant 8 : i32
      %mul3A_167 = arith.muli %scan3A_58, %mul3A_166 : i32
      %add3A_168 = arith.constant 5 : i32
      %add3A_169 = arith.addi %mul3A_167, %add3A_168 : i32
      %mul3A_170 = arith.constant 16 : i32
      %mul3A_171 = arith.muli %add3A_169, %mul3A_170 : i32
      %get3A_172 = arith.index_cast %mul3A_171 : i32 to index
      %get3A_173 = tpu.vector_load %arg10[%get3A_172] {strides = array<i32>} : memref<4608xi32, #tpu.memory_space<vmem>>, vector<16xi32>,
      %sub3A_174 = vector.broadcast %mul3A_18 : i32 to vector<16xi32>
      %sub3A_175 = arith.subi %get3A_173, %sub3A_174 : vector<16xi32>
      %ge3A_176 = arith.constant 0 : i32
      %ge3A_177 = vector.broadcast %ge3A_176 : i32 to vector<16xi32>
      %ge3A_178 = arith.cmpi sge, %sub3A_175, %ge3A_177 : vector<16xi32>
      %lt3A_179 = arith.constant 256 : i32
      %lt3A_180 = vector.broadcast %lt3A_179 : i32 to vector<16xi32>
      %lt3A_181 = arith.cmpi slt, %sub3A_175, %lt3A_180 : vector<16xi32>
      %and3A_182 = arith.andi %ge3A_178, %lt3A_181 : vector<16xi1>
      %jit3A_183 = arith.constant 0 : i32
      %jit3A_184 = arith.constant 255 : i32
      %max3A_185 = vector.broadcast %jit3A_183 : i32 to vector<16xi32>
      %max3A_186 = arith.maxsi %max3A_185, %sub3A_175 : vector<16xi32>
      %min3A_187 = vector.broadcast %jit3A_184 : i32 to vector<16xi32>
      %min3A_188 = arith.minsi %min3A_187, %max3A_186 : vector<16xi32>
      tpu.vector_store_idx %arg11[%min3A_188], %broadcast_in_dim3A_52 masked %and3A_182 {add = true} : memref<256xf32, #tpu.memory_space<vmem>>[vector<16xi32>], vector<16xf32>, vector<16xi1>
      %mul3A_189 = arith.constant 8 : i32
      %mul3A_190 = arith.muli %scan3A_58, %mul3A_189 : i32
      %add3A_191 = arith.constant 6 : i32
      %add3A_192 = arith.addi %mul3A_190, %add3A_191 : i32
      %mul3A_193 = arith.constant 16 : i32
      %mul3A_194 = arith.muli %add3A_192, %mul3A_193 : i32
      %get3A_195 = arith.index_cast %mul3A_194 : i32 to index
      %get3A_196 = tpu.vector_load %arg10[%get3A_195] {strides = array<i32>} : memref<4608xi32, #tpu.memory_space<vmem>>, vector<16xi32>,
      %sub3A_197 = vector.broadcast %mul3A_18 : i32 to vector<16xi32>
      %sub3A_198 = arith.subi %get3A_196, %sub3A_197 : vector<16xi32>
      %ge3A_199 = arith.constant 0 : i32
      %ge3A_200 = vector.broadcast %ge3A_199 : i32 to vector<16xi32>
      %ge3A_201 = arith.cmpi sge, %sub3A_198, %ge3A_200 : vector<16xi32>
      %lt3A_202 = arith.constant 256 : i32
      %lt3A_203 = vector.broadcast %lt3A_202 : i32 to vector<16xi32>
      %lt3A_204 = arith.cmpi slt, %sub3A_198, %lt3A_203 : vector<16xi32>
      %and3A_205 = arith.andi %ge3A_201, %lt3A_204 : vector<16xi1>
      %jit3A_206 = arith.constant 0 : i32
      %jit3A_207 = arith.constant 255 : i32
      %max3A_208 = vector.broadcast %jit3A_206 : i32 to vector<16xi32>
      %max3A_209 = arith.maxsi %max3A_208, %sub3A_198 : vector<16xi32>
      %min3A_210 = vector.broadcast %jit3A_207 : i32 to vector<16xi32>
      %min3A_211 = arith.minsi %min3A_210, %max3A_209 : vector<16xi32>
      tpu.vector_store_idx %arg11[%min3A_211], %broadcast_in_dim3A_52 masked %and3A_205 {add = true} : memref<256xf32, #tpu.memory_space<vmem>>[vector<16xi32>], vector<16xf32>, vector<16xi1>
      %mul3A_212 = arith.constant 8 : i32
      %mul3A_213 = arith.muli %scan3A_58, %mul3A_212 : i32
      %add3A_214 = arith.constant 7 : i32
      %add3A_215 = arith.addi %mul3A_213, %add3A_214 : i32
      %mul3A_216 = arith.constant 16 : i32
      %mul3A_217 = arith.muli %add3A_215, %mul3A_216 : i32
      %get3A_218 = arith.index_cast %mul3A_217 : i32 to index
      %get3A_219 = tpu.vector_load %arg10[%get3A_218] {strides = array<i32>} : memref<4608xi32, #tpu.memory_space<vmem>>, vector<16xi32>,
      %sub3A_220 = vector.broadcast %mul3A_18 : i32 to vector<16xi32>
      %sub3A_221 = arith.subi %get3A_219, %sub3A_220 : vector<16xi32>
      %ge3A_222 = arith.constant 0 : i32
      %ge3A_223 = vector.broadcast %ge3A_222 : i32 to vector<16xi32>
      %ge3A_224 = arith.cmpi sge, %sub3A_221, %ge3A_223 : vector<16xi32>
      %lt3A_225 = arith.constant 256 : i32
      %lt3A_226 = vector.broadcast %lt3A_225 : i32 to vector<16xi32>
      %lt3A_227 = arith.cmpi slt, %sub3A_221, %lt3A_226 : vector<16xi32>
      %and3A_228 = arith.andi %ge3A_224, %lt3A_227 : vector<16xi1>
      %jit3A_229 = arith.constant 0 : i32
      %jit3A_230 = arith.constant 255 : i32
      %max3A_231 = vector.broadcast %jit3A_229 : i32 to vector<16xi32>
      %max3A_232 = arith.maxsi %max3A_231, %sub3A_221 : vector<16xi32>
      %min3A_233 = vector.broadcast %jit3A_230 : i32 to vector<16xi32>
      %min3A_234 = arith.minsi %min3A_233, %max3A_232 : vector<16xi32>
      tpu.vector_store_idx %arg11[%min3A_234], %broadcast_in_dim3A_52 masked %and3A_228 {add = true} : memref<256xf32, #tpu.memory_space<vmem>>[vector<16xi32>], vector<16xf32>, vector<16xi1>
    }
    %scan3A_57 = arith.constant 36 : i32
    "tpu.region"() ({
      %run_scoped3A = tpu.sem_alloc : memref<!tpu.dma_semaphore, #tpu.memory_space<semaphore_mem>>
      %dma_start3A_58 = tpu.memref_slice %arg5[%mul3A_18] : memref<8192xf32, #tpu.memory_space<hbm>> -> memref<256xf32, #tpu.memory_space<hbm>>
      %dma_start3A_59 = tpu.memref_slice %arg5[%mul3A_18] : memref<8192xf32, #tpu.memory_space<hbm>> -> memref<256xf32, #tpu.memory_space<hbm>>
      tpu.enqueue_dma source(%arg11 : memref<256xf32, #tpu.memory_space<vmem>>) target(%dma_start3A_59 : memref<256xf32, #tpu.memory_space<hbm>>) target_semaphore(%run_scoped3A : memref<!tpu.dma_semaphore, #tpu.memory_space<semaphore_mem>>)
      %dma_wait3A_60 = tpu.memref_slice %arg5[%mul3A_18] : memref<8192xf32, #tpu.memory_space<hbm>> -> memref<256xf32, #tpu.memory_space<hbm>>
      %dma_wait3A_61 = tpu.memref_slice %arg5[%mul3A_18] : memref<8192xf32, #tpu.memory_space<hbm>> -> memref<256xf32, #tpu.memory_space<hbm>>
      tpu.wait_dma2 semaphore(%run_scoped3A : memref<!tpu.dma_semaphore, #tpu.memory_space<semaphore_mem>>) src(%arg11 : memref<256xf32, #tpu.memory_space<vmem>>) dst(%dma_wait3A_61 : memref<256xf32, #tpu.memory_space<hbm>>)
      tpu.yield
    }) : () -> ()
    return
  }
}

module attributes {stable_mosaic.version = 14 : i64} {
  func.func @_argmin_kernel(%arg0: i32, %arg1: memref<1152x64xf32, #tpu.memory_space<vmem>>, %arg2: memref<8192x64xf32, #tpu.memory_space<vmem>>, %arg3: memref<1x1x1152xi32, #tpu.memory_space<vmem>>, %arg4: memref<8192x128xf32, #tpu.memory_space<vmem>>) attributes {dimension_semantics = [#tpu.dimension_semantics<arbitrary>], iteration_bounds = array<i64: 4>, scalar_prefetch = 0 : i64, scratch_operands = 0 : i64, tpu.core_type = #tpu.core_type<tc>, window_params = [{transform_indices = @transform_0, window_bounds = array<i64: 1152, 64>}, {pipeline_mode = #tpu.pipeline_mode<synchronous>, transform_indices = @transform_1, window_bounds = array<i64: 8192, 64>}, {transform_indices = @transform_2, window_bounds = array<i64: 1, 1, 1152>}, {pipeline_mode = #tpu.pipeline_mode<synchronous>, transform_indices = @transform_3, window_bounds = array<i64: 8192, 128>}]} {
    %get3A = arith.constant 0 : index
    %get3A_0 = arith.constant 0 : index
    %get3A_1 = vector.load %arg1[%get3A, %get3A_0] : memref<1152x64xf32, #tpu.memory_space<vmem>>, vector<1152x64xf32>
    %integer_pow3A = arith.mulf %get3A_1, %get3A_1 : vector<1152x64xf32>
    %reduce_sum3A = arith.constant dense<0.000000e+00> : vector<1152xf32>
    %reduce_sum3A_2 = vector.multi_reduction <add>, %integer_pow3A, %reduce_sum3A [1] : vector<1152x64xf32> to vector<1152xf32>
    %broadcast_in_dim3A = vector.shape_cast %reduce_sum3A_2 : vector<1152xf32> to vector<1152x1xf32>
    %broadcast_in_dim3A_3 = arith.constant 0x7F800000 : f32
    %broadcast_in_dim3A_4 = vector.broadcast %broadcast_in_dim3A_3 : f32 to vector<1152x128xf32>
    %broadcast_in_dim3A_5 = arith.constant 0 : i32
    %broadcast_in_dim3A_6 = vector.broadcast %broadcast_in_dim3A_5 : i32 to vector<1152x128xi32>
    %get3A_7 = arith.constant 0 : index
    %get3A_8 = arith.constant 0 : index
    %get3A_9 = vector.load %arg2[%get3A_7, %get3A_8] : memref<8192x64xf32, #tpu.memory_space<vmem>>, vector<2048x64xf32>
    %integer_pow3A_10 = arith.mulf %get3A_9, %get3A_9 : vector<2048x64xf32>
    %reduce_sum3A_11 = arith.constant dense<0.000000e+00> : vector<2048xf32>
    %reduce_sum3A_12 = vector.multi_reduction <add>, %integer_pow3A_10, %reduce_sum3A_11 [1] : vector<2048x64xf32> to vector<2048xf32>
    %add3A = arith.addf %get3A_9, %get3A_9 : vector<2048x64xf32>
    %dot_general3A = arith.constant dense<0.000000e+00> : vector<1152x2048xf32>
    %dot_general3A_13 = tpu.matmul %get3A_1, %add3A, %dot_general3A {dimension_numbers = #tpu.dot_dimension_numbers<[1], [1], [0], [0], [0, 0, 1, 0], [], []>, transpose_lhs_hint = false} : vector<1152x64xf32>, vector<2048x64xf32>, vector<1152x2048xf32> -> vector<1152x2048xf32>
    %slice3A = vector.extract_strided_slice %reduce_sum3A_12 {offsets = [0], sizes = [128], strides = [1]} : vector<2048xf32> to vector<128xf32>
    %broadcast_in_dim3A_14 = vector.shape_cast %slice3A : vector<128xf32> to vector<1x128xf32>
    %add3A_15 = vector.broadcast %broadcast_in_dim3A : vector<1152x1xf32> to vector<1152x128xf32>
    %add3A_16 = vector.broadcast %broadcast_in_dim3A_14 : vector<1x128xf32> to vector<1152x128xf32>
    %add3A_17 = arith.addf %add3A_15, %add3A_16 : vector<1152x128xf32>
    %slice3A_18 = vector.extract_strided_slice %dot_general3A_13 {offsets = [0, 0], sizes = [1152, 128], strides = [1, 1]} : vector<1152x2048xf32> to vector<1152x128xf32>
    %sub3A = arith.subf %add3A_17, %slice3A_18 : vector<1152x128xf32>
    %lt3A = arith.cmpf olt, %sub3A, %broadcast_in_dim3A_4 : vector<1152x128xf32>
    %select_n3A = arith.select %lt3A, %sub3A, %broadcast_in_dim3A_4 : vector<1152x128xi1>, vector<1152x128xf32>
    %jit3A = arith.constant 0 : i32
    %broadcast_in_dim3A_19 = vector.broadcast %jit3A : i32 to vector<1152x128xi32>
    %select_n3A_20 = arith.select %lt3A, %broadcast_in_dim3A_19, %broadcast_in_dim3A_6 : vector<1152x128xi1>, vector<1152x128xi32>
    %slice3A_21 = vector.extract_strided_slice %reduce_sum3A_12 {offsets = [128], sizes = [128], strides = [1]} : vector<2048xf32> to vector<128xf32>
    %broadcast_in_dim3A_22 = vector.shape_cast %slice3A_21 : vector<128xf32> to vector<1x128xf32>
    %add3A_23 = vector.broadcast %broadcast_in_dim3A : vector<1152x1xf32> to vector<1152x128xf32>
    %add3A_24 = vector.broadcast %broadcast_in_dim3A_22 : vector<1x128xf32> to vector<1152x128xf32>
    %add3A_25 = arith.addf %add3A_23, %add3A_24 : vector<1152x128xf32>
    %slice3A_26 = vector.extract_strided_slice %dot_general3A_13 {offsets = [0, 128], sizes = [1152, 128], strides = [1, 1]} : vector<1152x2048xf32> to vector<1152x128xf32>
    %sub3A_27 = arith.subf %add3A_25, %slice3A_26 : vector<1152x128xf32>
    %lt3A_28 = arith.cmpf olt, %sub3A_27, %select_n3A : vector<1152x128xf32>
    %select_n3A_29 = arith.select %lt3A_28, %sub3A_27, %select_n3A : vector<1152x128xi1>, vector<1152x128xf32>
    %jit3A_30 = arith.constant 1 : i32
    %broadcast_in_dim3A_31 = vector.broadcast %jit3A_30 : i32 to vector<1152x128xi32>
    %select_n3A_32 = arith.select %lt3A_28, %broadcast_in_dim3A_31, %select_n3A_20 : vector<1152x128xi1>, vector<1152x128xi32>
    %slice3A_33 = vector.extract_strided_slice %reduce_sum3A_12 {offsets = [256], sizes = [128], strides = [1]} : vector<2048xf32> to vector<128xf32>
    %broadcast_in_dim3A_34 = vector.shape_cast %slice3A_33 : vector<128xf32> to vector<1x128xf32>
    %add3A_35 = vector.broadcast %broadcast_in_dim3A : vector<1152x1xf32> to vector<1152x128xf32>
    %add3A_36 = vector.broadcast %broadcast_in_dim3A_34 : vector<1x128xf32> to vector<1152x128xf32>
    %add3A_37 = arith.addf %add3A_35, %add3A_36 : vector<1152x128xf32>
    %slice3A_38 = vector.extract_strided_slice %dot_general3A_13 {offsets = [0, 256], sizes = [1152, 128], strides = [1, 1]} : vector<1152x2048xf32> to vector<1152x128xf32>
    %sub3A_39 = arith.subf %add3A_37, %slice3A_38 : vector<1152x128xf32>
    %lt3A_40 = arith.cmpf olt, %sub3A_39, %select_n3A_29 : vector<1152x128xf32>
    %select_n3A_41 = arith.select %lt3A_40, %sub3A_39, %select_n3A_29 : vector<1152x128xi1>, vector<1152x128xf32>
    %jit3A_42 = arith.constant 2 : i32
    %broadcast_in_dim3A_43 = vector.broadcast %jit3A_42 : i32 to vector<1152x128xi32>
    %select_n3A_44 = arith.select %lt3A_40, %broadcast_in_dim3A_43, %select_n3A_32 : vector<1152x128xi1>, vector<1152x128xi32>
    %slice3A_45 = vector.extract_strided_slice %reduce_sum3A_12 {offsets = [384], sizes = [128], strides = [1]} : vector<2048xf32> to vector<128xf32>
    %broadcast_in_dim3A_46 = vector.shape_cast %slice3A_45 : vector<128xf32> to vector<1x128xf32>
    %add3A_47 = vector.broadcast %broadcast_in_dim3A : vector<1152x1xf32> to vector<1152x128xf32>
    %add3A_48 = vector.broadcast %broadcast_in_dim3A_46 : vector<1x128xf32> to vector<1152x128xf32>
    %add3A_49 = arith.addf %add3A_47, %add3A_48 : vector<1152x128xf32>
    %slice3A_50 = vector.extract_strided_slice %dot_general3A_13 {offsets = [0, 384], sizes = [1152, 128], strides = [1, 1]} : vector<1152x2048xf32> to vector<1152x128xf32>
    %sub3A_51 = arith.subf %add3A_49, %slice3A_50 : vector<1152x128xf32>
    %lt3A_52 = arith.cmpf olt, %sub3A_51, %select_n3A_41 : vector<1152x128xf32>
    %select_n3A_53 = arith.select %lt3A_52, %sub3A_51, %select_n3A_41 : vector<1152x128xi1>, vector<1152x128xf32>
    %jit3A_54 = arith.constant 3 : i32
    %broadcast_in_dim3A_55 = vector.broadcast %jit3A_54 : i32 to vector<1152x128xi32>
    %select_n3A_56 = arith.select %lt3A_52, %broadcast_in_dim3A_55, %select_n3A_44 : vector<1152x128xi1>, vector<1152x128xi32>
    %slice3A_57 = vector.extract_strided_slice %reduce_sum3A_12 {offsets = [512], sizes = [128], strides = [1]} : vector<2048xf32> to vector<128xf32>
    %broadcast_in_dim3A_58 = vector.shape_cast %slice3A_57 : vector<128xf32> to vector<1x128xf32>
    %add3A_59 = vector.broadcast %broadcast_in_dim3A : vector<1152x1xf32> to vector<1152x128xf32>
    %add3A_60 = vector.broadcast %broadcast_in_dim3A_58 : vector<1x128xf32> to vector<1152x128xf32>
    %add3A_61 = arith.addf %add3A_59, %add3A_60 : vector<1152x128xf32>
    %slice3A_62 = vector.extract_strided_slice %dot_general3A_13 {offsets = [0, 512], sizes = [1152, 128], strides = [1, 1]} : vector<1152x2048xf32> to vector<1152x128xf32>
    %sub3A_63 = arith.subf %add3A_61, %slice3A_62 : vector<1152x128xf32>
    %lt3A_64 = arith.cmpf olt, %sub3A_63, %select_n3A_53 : vector<1152x128xf32>
    %select_n3A_65 = arith.select %lt3A_64, %sub3A_63, %select_n3A_53 : vector<1152x128xi1>, vector<1152x128xf32>
    %jit3A_66 = arith.constant 4 : i32
    %broadcast_in_dim3A_67 = vector.broadcast %jit3A_66 : i32 to vector<1152x128xi32>
    %select_n3A_68 = arith.select %lt3A_64, %broadcast_in_dim3A_67, %select_n3A_56 : vector<1152x128xi1>, vector<1152x128xi32>
    %slice3A_69 = vector.extract_strided_slice %reduce_sum3A_12 {offsets = [640], sizes = [128], strides = [1]} : vector<2048xf32> to vector<128xf32>
    %broadcast_in_dim3A_70 = vector.shape_cast %slice3A_69 : vector<128xf32> to vector<1x128xf32>
    %add3A_71 = vector.broadcast %broadcast_in_dim3A : vector<1152x1xf32> to vector<1152x128xf32>
    %add3A_72 = vector.broadcast %broadcast_in_dim3A_70 : vector<1x128xf32> to vector<1152x128xf32>
    %add3A_73 = arith.addf %add3A_71, %add3A_72 : vector<1152x128xf32>
    %slice3A_74 = vector.extract_strided_slice %dot_general3A_13 {offsets = [0, 640], sizes = [1152, 128], strides = [1, 1]} : vector<1152x2048xf32> to vector<1152x128xf32>
    %sub3A_75 = arith.subf %add3A_73, %slice3A_74 : vector<1152x128xf32>
    %lt3A_76 = arith.cmpf olt, %sub3A_75, %select_n3A_65 : vector<1152x128xf32>
    %select_n3A_77 = arith.select %lt3A_76, %sub3A_75, %select_n3A_65 : vector<1152x128xi1>, vector<1152x128xf32>
    %jit3A_78 = arith.constant 5 : i32
    %broadcast_in_dim3A_79 = vector.broadcast %jit3A_78 : i32 to vector<1152x128xi32>
    %select_n3A_80 = arith.select %lt3A_76, %broadcast_in_dim3A_79, %select_n3A_68 : vector<1152x128xi1>, vector<1152x128xi32>
    %slice3A_81 = vector.extract_strided_slice %reduce_sum3A_12 {offsets = [768], sizes = [128], strides = [1]} : vector<2048xf32> to vector<128xf32>
    %broadcast_in_dim3A_82 = vector.shape_cast %slice3A_81 : vector<128xf32> to vector<1x128xf32>
    %add3A_83 = vector.broadcast %broadcast_in_dim3A : vector<1152x1xf32> to vector<1152x128xf32>
    %add3A_84 = vector.broadcast %broadcast_in_dim3A_82 : vector<1x128xf32> to vector<1152x128xf32>
    %add3A_85 = arith.addf %add3A_83, %add3A_84 : vector<1152x128xf32>
    %slice3A_86 = vector.extract_strided_slice %dot_general3A_13 {offsets = [0, 768], sizes = [1152, 128], strides = [1, 1]} : vector<1152x2048xf32> to vector<1152x128xf32>
    %sub3A_87 = arith.subf %add3A_85, %slice3A_86 : vector<1152x128xf32>
    %lt3A_88 = arith.cmpf olt, %sub3A_87, %select_n3A_77 : vector<1152x128xf32>
    %select_n3A_89 = arith.select %lt3A_88, %sub3A_87, %select_n3A_77 : vector<1152x128xi1>, vector<1152x128xf32>
    %jit3A_90 = arith.constant 6 : i32
    %broadcast_in_dim3A_91 = vector.broadcast %jit3A_90 : i32 to vector<1152x128xi32>
    %select_n3A_92 = arith.select %lt3A_88, %broadcast_in_dim3A_91, %select_n3A_80 : vector<1152x128xi1>, vector<1152x128xi32>
    %slice3A_93 = vector.extract_strided_slice %reduce_sum3A_12 {offsets = [896], sizes = [128], strides = [1]} : vector<2048xf32> to vector<128xf32>
    %broadcast_in_dim3A_94 = vector.shape_cast %slice3A_93 : vector<128xf32> to vector<1x128xf32>
    %add3A_95 = vector.broadcast %broadcast_in_dim3A : vector<1152x1xf32> to vector<1152x128xf32>
    %add3A_96 = vector.broadcast %broadcast_in_dim3A_94 : vector<1x128xf32> to vector<1152x128xf32>
    %add3A_97 = arith.addf %add3A_95, %add3A_96 : vector<1152x128xf32>
    %slice3A_98 = vector.extract_strided_slice %dot_general3A_13 {offsets = [0, 896], sizes = [1152, 128], strides = [1, 1]} : vector<1152x2048xf32> to vector<1152x128xf32>
    %sub3A_99 = arith.subf %add3A_97, %slice3A_98 : vector<1152x128xf32>
    %lt3A_100 = arith.cmpf olt, %sub3A_99, %select_n3A_89 : vector<1152x128xf32>
    %select_n3A_101 = arith.select %lt3A_100, %sub3A_99, %select_n3A_89 : vector<1152x128xi1>, vector<1152x128xf32>
    %jit3A_102 = arith.constant 7 : i32
    %broadcast_in_dim3A_103 = vector.broadcast %jit3A_102 : i32 to vector<1152x128xi32>
    %select_n3A_104 = arith.select %lt3A_100, %broadcast_in_dim3A_103, %select_n3A_92 : vector<1152x128xi1>, vector<1152x128xi32>
    %slice3A_105 = vector.extract_strided_slice %reduce_sum3A_12 {offsets = [1024], sizes = [128], strides = [1]} : vector<2048xf32> to vector<128xf32>
    %broadcast_in_dim3A_106 = vector.shape_cast %slice3A_105 : vector<128xf32> to vector<1x128xf32>
    %add3A_107 = vector.broadcast %broadcast_in_dim3A : vector<1152x1xf32> to vector<1152x128xf32>
    %add3A_108 = vector.broadcast %broadcast_in_dim3A_106 : vector<1x128xf32> to vector<1152x128xf32>
    %add3A_109 = arith.addf %add3A_107, %add3A_108 : vector<1152x128xf32>
    %slice3A_110 = vector.extract_strided_slice %dot_general3A_13 {offsets = [0, 1024], sizes = [1152, 128], strides = [1, 1]} : vector<1152x2048xf32> to vector<1152x128xf32>
    %sub3A_111 = arith.subf %add3A_109, %slice3A_110 : vector<1152x128xf32>
    %lt3A_112 = arith.cmpf olt, %sub3A_111, %select_n3A_101 : vector<1152x128xf32>
    %select_n3A_113 = arith.select %lt3A_112, %sub3A_111, %select_n3A_101 : vector<1152x128xi1>, vector<1152x128xf32>
    %jit3A_114 = arith.constant 8 : i32
    %broadcast_in_dim3A_115 = vector.broadcast %jit3A_114 : i32 to vector<1152x128xi32>
    %select_n3A_116 = arith.select %lt3A_112, %broadcast_in_dim3A_115, %select_n3A_104 : vector<1152x128xi1>, vector<1152x128xi32>
    %slice3A_117 = vector.extract_strided_slice %reduce_sum3A_12 {offsets = [1152], sizes = [128], strides = [1]} : vector<2048xf32> to vector<128xf32>
    %broadcast_in_dim3A_118 = vector.shape_cast %slice3A_117 : vector<128xf32> to vector<1x128xf32>
    %add3A_119 = vector.broadcast %broadcast_in_dim3A : vector<1152x1xf32> to vector<1152x128xf32>
    %add3A_120 = vector.broadcast %broadcast_in_dim3A_118 : vector<1x128xf32> to vector<1152x128xf32>
    %add3A_121 = arith.addf %add3A_119, %add3A_120 : vector<1152x128xf32>
    %slice3A_122 = vector.extract_strided_slice %dot_general3A_13 {offsets = [0, 1152], sizes = [1152, 128], strides = [1, 1]} : vector<1152x2048xf32> to vector<1152x128xf32>
    %sub3A_123 = arith.subf %add3A_121, %slice3A_122 : vector<1152x128xf32>
    %lt3A_124 = arith.cmpf olt, %sub3A_123, %select_n3A_113 : vector<1152x128xf32>
    %select_n3A_125 = arith.select %lt3A_124, %sub3A_123, %select_n3A_113 : vector<1152x128xi1>, vector<1152x128xf32>
    %jit3A_126 = arith.constant 9 : i32
    %broadcast_in_dim3A_127 = vector.broadcast %jit3A_126 : i32 to vector<1152x128xi32>
    %select_n3A_128 = arith.select %lt3A_124, %broadcast_in_dim3A_127, %select_n3A_116 : vector<1152x128xi1>, vector<1152x128xi32>
    %slice3A_129 = vector.extract_strided_slice %reduce_sum3A_12 {offsets = [1280], sizes = [128], strides = [1]} : vector<2048xf32> to vector<128xf32>
    %broadcast_in_dim3A_130 = vector.shape_cast %slice3A_129 : vector<128xf32> to vector<1x128xf32>
    %add3A_131 = vector.broadcast %broadcast_in_dim3A : vector<1152x1xf32> to vector<1152x128xf32>
    %add3A_132 = vector.broadcast %broadcast_in_dim3A_130 : vector<1x128xf32> to vector<1152x128xf32>
    %add3A_133 = arith.addf %add3A_131, %add3A_132 : vector<1152x128xf32>
    %slice3A_134 = vector.extract_strided_slice %dot_general3A_13 {offsets = [0, 1280], sizes = [1152, 128], strides = [1, 1]} : vector<1152x2048xf32> to vector<1152x128xf32>
    %sub3A_135 = arith.subf %add3A_133, %slice3A_134 : vector<1152x128xf32>
    %lt3A_136 = arith.cmpf olt, %sub3A_135, %select_n3A_125 : vector<1152x128xf32>
    %select_n3A_137 = arith.select %lt3A_136, %sub3A_135, %select_n3A_125 : vector<1152x128xi1>, vector<1152x128xf32>
    %jit3A_138 = arith.constant 10 : i32
    %broadcast_in_dim3A_139 = vector.broadcast %jit3A_138 : i32 to vector<1152x128xi32>
    %select_n3A_140 = arith.select %lt3A_136, %broadcast_in_dim3A_139, %select_n3A_128 : vector<1152x128xi1>, vector<1152x128xi32>
    %slice3A_141 = vector.extract_strided_slice %reduce_sum3A_12 {offsets = [1408], sizes = [128], strides = [1]} : vector<2048xf32> to vector<128xf32>
    %broadcast_in_dim3A_142 = vector.shape_cast %slice3A_141 : vector<128xf32> to vector<1x128xf32>
    %add3A_143 = vector.broadcast %broadcast_in_dim3A : vector<1152x1xf32> to vector<1152x128xf32>
    %add3A_144 = vector.broadcast %broadcast_in_dim3A_142 : vector<1x128xf32> to vector<1152x128xf32>
    %add3A_145 = arith.addf %add3A_143, %add3A_144 : vector<1152x128xf32>
    %slice3A_146 = vector.extract_strided_slice %dot_general3A_13 {offsets = [0, 1408], sizes = [1152, 128], strides = [1, 1]} : vector<1152x2048xf32> to vector<1152x128xf32>
    %sub3A_147 = arith.subf %add3A_145, %slice3A_146 : vector<1152x128xf32>
    %lt3A_148 = arith.cmpf olt, %sub3A_147, %select_n3A_137 : vector<1152x128xf32>
    %select_n3A_149 = arith.select %lt3A_148, %sub3A_147, %select_n3A_137 : vector<1152x128xi1>, vector<1152x128xf32>
    %jit3A_150 = arith.constant 11 : i32
    %broadcast_in_dim3A_151 = vector.broadcast %jit3A_150 : i32 to vector<1152x128xi32>
    %select_n3A_152 = arith.select %lt3A_148, %broadcast_in_dim3A_151, %select_n3A_140 : vector<1152x128xi1>, vector<1152x128xi32>
    %slice3A_153 = vector.extract_strided_slice %reduce_sum3A_12 {offsets = [1536], sizes = [128], strides = [1]} : vector<2048xf32> to vector<128xf32>
    %broadcast_in_dim3A_154 = vector.shape_cast %slice3A_153 : vector<128xf32> to vector<1x128xf32>
    %add3A_155 = vector.broadcast %broadcast_in_dim3A : vector<1152x1xf32> to vector<1152x128xf32>
    %add3A_156 = vector.broadcast %broadcast_in_dim3A_154 : vector<1x128xf32> to vector<1152x128xf32>
    %add3A_157 = arith.addf %add3A_155, %add3A_156 : vector<1152x128xf32>
    %slice3A_158 = vector.extract_strided_slice %dot_general3A_13 {offsets = [0, 1536], sizes = [1152, 128], strides = [1, 1]} : vector<1152x2048xf32> to vector<1152x128xf32>
    %sub3A_159 = arith.subf %add3A_157, %slice3A_158 : vector<1152x128xf32>
    %lt3A_160 = arith.cmpf olt, %sub3A_159, %select_n3A_149 : vector<1152x128xf32>
    %select_n3A_161 = arith.select %lt3A_160, %sub3A_159, %select_n3A_149 : vector<1152x128xi1>, vector<1152x128xf32>
    %jit3A_162 = arith.constant 12 : i32
    %broadcast_in_dim3A_163 = vector.broadcast %jit3A_162 : i32 to vector<1152x128xi32>
    %select_n3A_164 = arith.select %lt3A_160, %broadcast_in_dim3A_163, %select_n3A_152 : vector<1152x128xi1>, vector<1152x128xi32>
    %slice3A_165 = vector.extract_strided_slice %reduce_sum3A_12 {offsets = [1664], sizes = [128], strides = [1]} : vector<2048xf32> to vector<128xf32>
    %broadcast_in_dim3A_166 = vector.shape_cast %slice3A_165 : vector<128xf32> to vector<1x128xf32>
    %add3A_167 = vector.broadcast %broadcast_in_dim3A : vector<1152x1xf32> to vector<1152x128xf32>
    %add3A_168 = vector.broadcast %broadcast_in_dim3A_166 : vector<1x128xf32> to vector<1152x128xf32>
    %add3A_169 = arith.addf %add3A_167, %add3A_168 : vector<1152x128xf32>
    %slice3A_170 = vector.extract_strided_slice %dot_general3A_13 {offsets = [0, 1664], sizes = [1152, 128], strides = [1, 1]} : vector<1152x2048xf32> to vector<1152x128xf32>
    %sub3A_171 = arith.subf %add3A_169, %slice3A_170 : vector<1152x128xf32>
    %lt3A_172 = arith.cmpf olt, %sub3A_171, %select_n3A_161 : vector<1152x128xf32>
    %select_n3A_173 = arith.select %lt3A_172, %sub3A_171, %select_n3A_161 : vector<1152x128xi1>, vector<1152x128xf32>
    %jit3A_174 = arith.constant 13 : i32
    %broadcast_in_dim3A_175 = vector.broadcast %jit3A_174 : i32 to vector<1152x128xi32>
    %select_n3A_176 = arith.select %lt3A_172, %broadcast_in_dim3A_175, %select_n3A_164 : vector<1152x128xi1>, vector<1152x128xi32>
    %slice3A_177 = vector.extract_strided_slice %reduce_sum3A_12 {offsets = [1792], sizes = [128], strides = [1]} : vector<2048xf32> to vector<128xf32>
    %broadcast_in_dim3A_178 = vector.shape_cast %slice3A_177 : vector<128xf32> to vector<1x128xf32>
    %add3A_179 = vector.broadcast %broadcast_in_dim3A : vector<1152x1xf32> to vector<1152x128xf32>
    %add3A_180 = vector.broadcast %broadcast_in_dim3A_178 : vector<1x128xf32> to vector<1152x128xf32>
    %add3A_181 = arith.addf %add3A_179, %add3A_180 : vector<1152x128xf32>
    %slice3A_182 = vector.extract_strided_slice %dot_general3A_13 {offsets = [0, 1792], sizes = [1152, 128], strides = [1, 1]} : vector<1152x2048xf32> to vector<1152x128xf32>
    %sub3A_183 = arith.subf %add3A_181, %slice3A_182 : vector<1152x128xf32>
    %lt3A_184 = arith.cmpf olt, %sub3A_183, %select_n3A_173 : vector<1152x128xf32>
    %select_n3A_185 = arith.select %lt3A_184, %sub3A_183, %select_n3A_173 : vector<1152x128xi1>, vector<1152x128xf32>
    %jit3A_186 = arith.constant 14 : i32
    %broadcast_in_dim3A_187 = vector.broadcast %jit3A_186 : i32 to vector<1152x128xi32>
    %select_n3A_188 = arith.select %lt3A_184, %broadcast_in_dim3A_187, %select_n3A_176 : vector<1152x128xi1>, vector<1152x128xi32>
    %slice3A_189 = vector.extract_strided_slice %reduce_sum3A_12 {offsets = [1920], sizes = [128], strides = [1]} : vector<2048xf32> to vector<128xf32>
    %broadcast_in_dim3A_190 = vector.shape_cast %slice3A_189 : vector<128xf32> to vector<1x128xf32>
    %add3A_191 = vector.broadcast %broadcast_in_dim3A : vector<1152x1xf32> to vector<1152x128xf32>
    %add3A_192 = vector.broadcast %broadcast_in_dim3A_190 : vector<1x128xf32> to vector<1152x128xf32>
    %add3A_193 = arith.addf %add3A_191, %add3A_192 : vector<1152x128xf32>
    %slice3A_194 = vector.extract_strided_slice %dot_general3A_13 {offsets = [0, 1920], sizes = [1152, 128], strides = [1, 1]} : vector<1152x2048xf32> to vector<1152x128xf32>
    %sub3A_195 = arith.subf %add3A_193, %slice3A_194 : vector<1152x128xf32>
    %lt3A_196 = arith.cmpf olt, %sub3A_195, %select_n3A_185 : vector<1152x128xf32>
    %select_n3A_197 = arith.select %lt3A_196, %sub3A_195, %select_n3A_185 : vector<1152x128xi1>, vector<1152x128xf32>
    %jit3A_198 = arith.constant 15 : i32
    %broadcast_in_dim3A_199 = vector.broadcast %jit3A_198 : i32 to vector<1152x128xi32>
    %select_n3A_200 = arith.select %lt3A_196, %broadcast_in_dim3A_199, %select_n3A_188 : vector<1152x128xi1>, vector<1152x128xi32>
    %get3A_201 = arith.constant 2048 : index
    %get3A_202 = arith.constant 0 : index
    %get3A_203 = vector.load %arg2[%get3A_201, %get3A_202] : memref<8192x64xf32, #tpu.memory_space<vmem>>, vector<2048x64xf32>
    %integer_pow3A_204 = arith.mulf %get3A_203, %get3A_203 : vector<2048x64xf32>
    %reduce_sum3A_205 = arith.constant dense<0.000000e+00> : vector<2048xf32>
    %reduce_sum3A_206 = vector.multi_reduction <add>, %integer_pow3A_204, %reduce_sum3A_205 [1] : vector<2048x64xf32> to vector<2048xf32>
    %add3A_207 = arith.addf %get3A_203, %get3A_203 : vector<2048x64xf32>
    %dot_general3A_208 = arith.constant dense<0.000000e+00> : vector<1152x2048xf32>
    %dot_general3A_209 = tpu.matmul %get3A_1, %add3A_207, %dot_general3A_208 {dimension_numbers = #tpu.dot_dimension_numbers<[1], [1], [0], [0], [0, 0, 1, 0], [], []>, transpose_lhs_hint = false} : vector<1152x64xf32>, vector<2048x64xf32>, vector<1152x2048xf32> -> vector<1152x2048xf32>
    %slice3A_210 = vector.extract_strided_slice %reduce_sum3A_206 {offsets = [0], sizes = [128], strides = [1]} : vector<2048xf32> to vector<128xf32>
    %broadcast_in_dim3A_211 = vector.shape_cast %slice3A_210 : vector<128xf32> to vector<1x128xf32>
    %add3A_212 = vector.broadcast %broadcast_in_dim3A : vector<1152x1xf32> to vector<1152x128xf32>
    %add3A_213 = vector.broadcast %broadcast_in_dim3A_211 : vector<1x128xf32> to vector<1152x128xf32>
    %add3A_214 = arith.addf %add3A_212, %add3A_213 : vector<1152x128xf32>
    %slice3A_215 = vector.extract_strided_slice %dot_general3A_209 {offsets = [0, 0], sizes = [1152, 128], strides = [1, 1]} : vector<1152x2048xf32> to vector<1152x128xf32>
    %sub3A_216 = arith.subf %add3A_214, %slice3A_215 : vector<1152x128xf32>
    %lt3A_217 = arith.cmpf olt, %sub3A_216, %select_n3A_197 : vector<1152x128xf32>
    %select_n3A_218 = arith.select %lt3A_217, %sub3A_216, %select_n3A_197 : vector<1152x128xi1>, vector<1152x128xf32>
    %jit3A_219 = arith.constant 16 : i32
    %broadcast_in_dim3A_220 = vector.broadcast %jit3A_219 : i32 to vector<1152x128xi32>
    %select_n3A_221 = arith.select %lt3A_217, %broadcast_in_dim3A_220, %select_n3A_200 : vector<1152x128xi1>, vector<1152x128xi32>
    %slice3A_222 = vector.extract_strided_slice %reduce_sum3A_206 {offsets = [128], sizes = [128], strides = [1]} : vector<2048xf32> to vector<128xf32>
    %broadcast_in_dim3A_223 = vector.shape_cast %slice3A_222 : vector<128xf32> to vector<1x128xf32>
    %add3A_224 = vector.broadcast %broadcast_in_dim3A : vector<1152x1xf32> to vector<1152x128xf32>
    %add3A_225 = vector.broadcast %broadcast_in_dim3A_223 : vector<1x128xf32> to vector<1152x128xf32>
    %add3A_226 = arith.addf %add3A_224, %add3A_225 : vector<1152x128xf32>
    %slice3A_227 = vector.extract_strided_slice %dot_general3A_209 {offsets = [0, 128], sizes = [1152, 128], strides = [1, 1]} : vector<1152x2048xf32> to vector<1152x128xf32>
    %sub3A_228 = arith.subf %add3A_226, %slice3A_227 : vector<1152x128xf32>
    %lt3A_229 = arith.cmpf olt, %sub3A_228, %select_n3A_218 : vector<1152x128xf32>
    %select_n3A_230 = arith.select %lt3A_229, %sub3A_228, %select_n3A_218 : vector<1152x128xi1>, vector<1152x128xf32>
    %jit3A_231 = arith.constant 17 : i32
    %broadcast_in_dim3A_232 = vector.broadcast %jit3A_231 : i32 to vector<1152x128xi32>
    %select_n3A_233 = arith.select %lt3A_229, %broadcast_in_dim3A_232, %select_n3A_221 : vector<1152x128xi1>, vector<1152x128xi32>
    %slice3A_234 = vector.extract_strided_slice %reduce_sum3A_206 {offsets = [256], sizes = [128], strides = [1]} : vector<2048xf32> to vector<128xf32>
    %broadcast_in_dim3A_235 = vector.shape_cast %slice3A_234 : vector<128xf32> to vector<1x128xf32>
    %add3A_236 = vector.broadcast %broadcast_in_dim3A : vector<1152x1xf32> to vector<1152x128xf32>
    %add3A_237 = vector.broadcast %broadcast_in_dim3A_235 : vector<1x128xf32> to vector<1152x128xf32>
    %add3A_238 = arith.addf %add3A_236, %add3A_237 : vector<1152x128xf32>
    %slice3A_239 = vector.extract_strided_slice %dot_general3A_209 {offsets = [0, 256], sizes = [1152, 128], strides = [1, 1]} : vector<1152x2048xf32> to vector<1152x128xf32>
    %sub3A_240 = arith.subf %add3A_238, %slice3A_239 : vector<1152x128xf32>
    %lt3A_241 = arith.cmpf olt, %sub3A_240, %select_n3A_230 : vector<1152x128xf32>
    %select_n3A_242 = arith.select %lt3A_241, %sub3A_240, %select_n3A_230 : vector<1152x128xi1>, vector<1152x128xf32>
    %jit3A_243 = arith.constant 18 : i32
    %broadcast_in_dim3A_244 = vector.broadcast %jit3A_243 : i32 to vector<1152x128xi32>
    %select_n3A_245 = arith.select %lt3A_241, %broadcast_in_dim3A_244, %select_n3A_233 : vector<1152x128xi1>, vector<1152x128xi32>
    %slice3A_246 = vector.extract_strided_slice %reduce_sum3A_206 {offsets = [384], sizes = [128], strides = [1]} : vector<2048xf32> to vector<128xf32>
    %broadcast_in_dim3A_247 = vector.shape_cast %slice3A_246 : vector<128xf32> to vector<1x128xf32>
    %add3A_248 = vector.broadcast %broadcast_in_dim3A : vector<1152x1xf32> to vector<1152x128xf32>
    %add3A_249 = vector.broadcast %broadcast_in_dim3A_247 : vector<1x128xf32> to vector<1152x128xf32>
    %add3A_250 = arith.addf %add3A_248, %add3A_249 : vector<1152x128xf32>
    %slice3A_251 = vector.extract_strided_slice %dot_general3A_209 {offsets = [0, 384], sizes = [1152, 128], strides = [1, 1]} : vector<1152x2048xf32> to vector<1152x128xf32>
    %sub3A_252 = arith.subf %add3A_250, %slice3A_251 : vector<1152x128xf32>
    %lt3A_253 = arith.cmpf olt, %sub3A_252, %select_n3A_242 : vector<1152x128xf32>
    %select_n3A_254 = arith.select %lt3A_253, %sub3A_252, %select_n3A_242 : vector<1152x128xi1>, vector<1152x128xf32>
    %jit3A_255 = arith.constant 19 : i32
    %broadcast_in_dim3A_256 = vector.broadcast %jit3A_255 : i32 to vector<1152x128xi32>
    %select_n3A_257 = arith.select %lt3A_253, %broadcast_in_dim3A_256, %select_n3A_245 : vector<1152x128xi1>, vector<1152x128xi32>
    %slice3A_258 = vector.extract_strided_slice %reduce_sum3A_206 {offsets = [512], sizes = [128], strides = [1]} : vector<2048xf32> to vector<128xf32>
    %broadcast_in_dim3A_259 = vector.shape_cast %slice3A_258 : vector<128xf32> to vector<1x128xf32>
    %add3A_260 = vector.broadcast %broadcast_in_dim3A : vector<1152x1xf32> to vector<1152x128xf32>
    %add3A_261 = vector.broadcast %broadcast_in_dim3A_259 : vector<1x128xf32> to vector<1152x128xf32>
    %add3A_262 = arith.addf %add3A_260, %add3A_261 : vector<1152x128xf32>
    %slice3A_263 = vector.extract_strided_slice %dot_general3A_209 {offsets = [0, 512], sizes = [1152, 128], strides = [1, 1]} : vector<1152x2048xf32> to vector<1152x128xf32>
    %sub3A_264 = arith.subf %add3A_262, %slice3A_263 : vector<1152x128xf32>
    %lt3A_265 = arith.cmpf olt, %sub3A_264, %select_n3A_254 : vector<1152x128xf32>
    %select_n3A_266 = arith.select %lt3A_265, %sub3A_264, %select_n3A_254 : vector<1152x128xi1>, vector<1152x128xf32>
    %jit3A_267 = arith.constant 20 : i32
    %broadcast_in_dim3A_268 = vector.broadcast %jit3A_267 : i32 to vector<1152x128xi32>
    %select_n3A_269 = arith.select %lt3A_265, %broadcast_in_dim3A_268, %select_n3A_257 : vector<1152x128xi1>, vector<1152x128xi32>
    %slice3A_270 = vector.extract_strided_slice %reduce_sum3A_206 {offsets = [640], sizes = [128], strides = [1]} : vector<2048xf32> to vector<128xf32>
    %broadcast_in_dim3A_271 = vector.shape_cast %slice3A_270 : vector<128xf32> to vector<1x128xf32>
    %add3A_272 = vector.broadcast %broadcast_in_dim3A : vector<1152x1xf32> to vector<1152x128xf32>
    %add3A_273 = vector.broadcast %broadcast_in_dim3A_271 : vector<1x128xf32> to vector<1152x128xf32>
    %add3A_274 = arith.addf %add3A_272, %add3A_273 : vector<1152x128xf32>
    %slice3A_275 = vector.extract_strided_slice %dot_general3A_209 {offsets = [0, 640], sizes = [1152, 128], strides = [1, 1]} : vector<1152x2048xf32> to vector<1152x128xf32>
    %sub3A_276 = arith.subf %add3A_274, %slice3A_275 : vector<1152x128xf32>
    %lt3A_277 = arith.cmpf olt, %sub3A_276, %select_n3A_266 : vector<1152x128xf32>
    %select_n3A_278 = arith.select %lt3A_277, %sub3A_276, %select_n3A_266 : vector<1152x128xi1>, vector<1152x128xf32>
    %jit3A_279 = arith.constant 21 : i32
    %broadcast_in_dim3A_280 = vector.broadcast %jit3A_279 : i32 to vector<1152x128xi32>
    %select_n3A_281 = arith.select %lt3A_277, %broadcast_in_dim3A_280, %select_n3A_269 : vector<1152x128xi1>, vector<1152x128xi32>
    %slice3A_282 = vector.extract_strided_slice %reduce_sum3A_206 {offsets = [768], sizes = [128], strides = [1]} : vector<2048xf32> to vector<128xf32>
    %broadcast_in_dim3A_283 = vector.shape_cast %slice3A_282 : vector<128xf32> to vector<1x128xf32>
    %add3A_284 = vector.broadcast %broadcast_in_dim3A : vector<1152x1xf32> to vector<1152x128xf32>
    %add3A_285 = vector.broadcast %broadcast_in_dim3A_283 : vector<1x128xf32> to vector<1152x128xf32>
    %add3A_286 = arith.addf %add3A_284, %add3A_285 : vector<1152x128xf32>
    %slice3A_287 = vector.extract_strided_slice %dot_general3A_209 {offsets = [0, 768], sizes = [1152, 128], strides = [1, 1]} : vector<1152x2048xf32> to vector<1152x128xf32>
    %sub3A_288 = arith.subf %add3A_286, %slice3A_287 : vector<1152x128xf32>
    %lt3A_289 = arith.cmpf olt, %sub3A_288, %select_n3A_278 : vector<1152x128xf32>
    %select_n3A_290 = arith.select %lt3A_289, %sub3A_288, %select_n3A_278 : vector<1152x128xi1>, vector<1152x128xf32>
    %jit3A_291 = arith.constant 22 : i32
    %broadcast_in_dim3A_292 = vector.broadcast %jit3A_291 : i32 to vector<1152x128xi32>
    %select_n3A_293 = arith.select %lt3A_289, %broadcast_in_dim3A_292, %select_n3A_281 : vector<1152x128xi1>, vector<1152x128xi32>
    %slice3A_294 = vector.extract_strided_slice %reduce_sum3A_206 {offsets = [896], sizes = [128], strides = [1]} : vector<2048xf32> to vector<128xf32>
    %broadcast_in_dim3A_295 = vector.shape_cast %slice3A_294 : vector<128xf32> to vector<1x128xf32>
    %add3A_296 = vector.broadcast %broadcast_in_dim3A : vector<1152x1xf32> to vector<1152x128xf32>
    %add3A_297 = vector.broadcast %broadcast_in_dim3A_295 : vector<1x128xf32> to vector<1152x128xf32>
    %add3A_298 = arith.addf %add3A_296, %add3A_297 : vector<1152x128xf32>
    %slice3A_299 = vector.extract_strided_slice %dot_general3A_209 {offsets = [0, 896], sizes = [1152, 128], strides = [1, 1]} : vector<1152x2048xf32> to vector<1152x128xf32>
    %sub3A_300 = arith.subf %add3A_298, %slice3A_299 : vector<1152x128xf32>
    %lt3A_301 = arith.cmpf olt, %sub3A_300, %select_n3A_290 : vector<1152x128xf32>
    %select_n3A_302 = arith.select %lt3A_301, %sub3A_300, %select_n3A_290 : vector<1152x128xi1>, vector<1152x128xf32>
    %jit3A_303 = arith.constant 23 : i32
    %broadcast_in_dim3A_304 = vector.broadcast %jit3A_303 : i32 to vector<1152x128xi32>
    %select_n3A_305 = arith.select %lt3A_301, %broadcast_in_dim3A_304, %select_n3A_293 : vector<1152x128xi1>, vector<1152x128xi32>
    %slice3A_306 = vector.extract_strided_slice %reduce_sum3A_206 {offsets = [1024], sizes = [128], strides = [1]} : vector<2048xf32> to vector<128xf32>
    %broadcast_in_dim3A_307 = vector.shape_cast %slice3A_306 : vector<128xf32> to vector<1x128xf32>
    %add3A_308 = vector.broadcast %broadcast_in_dim3A : vector<1152x1xf32> to vector<1152x128xf32>
    %add3A_309 = vector.broadcast %broadcast_in_dim3A_307 : vector<1x128xf32> to vector<1152x128xf32>
    %add3A_310 = arith.addf %add3A_308, %add3A_309 : vector<1152x128xf32>
    %slice3A_311 = vector.extract_strided_slice %dot_general3A_209 {offsets = [0, 1024], sizes = [1152, 128], strides = [1, 1]} : vector<1152x2048xf32> to vector<1152x128xf32>
    %sub3A_312 = arith.subf %add3A_310, %slice3A_311 : vector<1152x128xf32>
    %lt3A_313 = arith.cmpf olt, %sub3A_312, %select_n3A_302 : vector<1152x128xf32>
    %select_n3A_314 = arith.select %lt3A_313, %sub3A_312, %select_n3A_302 : vector<1152x128xi1>, vector<1152x128xf32>
    %jit3A_315 = arith.constant 24 : i32
    %broadcast_in_dim3A_316 = vector.broadcast %jit3A_315 : i32 to vector<1152x128xi32>
    %select_n3A_317 = arith.select %lt3A_313, %broadcast_in_dim3A_316, %select_n3A_305 : vector<1152x128xi1>, vector<1152x128xi32>
    %slice3A_318 = vector.extract_strided_slice %reduce_sum3A_206 {offsets = [1152], sizes = [128], strides = [1]} : vector<2048xf32> to vector<128xf32>
    %broadcast_in_dim3A_319 = vector.shape_cast %slice3A_318 : vector<128xf32> to vector<1x128xf32>
    %add3A_320 = vector.broadcast %broadcast_in_dim3A : vector<1152x1xf32> to vector<1152x128xf32>
    %add3A_321 = vector.broadcast %broadcast_in_dim3A_319 : vector<1x128xf32> to vector<1152x128xf32>
    %add3A_322 = arith.addf %add3A_320, %add3A_321 : vector<1152x128xf32>
    %slice3A_323 = vector.extract_strided_slice %dot_general3A_209 {offsets = [0, 1152], sizes = [1152, 128], strides = [1, 1]} : vector<1152x2048xf32> to vector<1152x128xf32>
    %sub3A_324 = arith.subf %add3A_322, %slice3A_323 : vector<1152x128xf32>
    %lt3A_325 = arith.cmpf olt, %sub3A_324, %select_n3A_314 : vector<1152x128xf32>
    %select_n3A_326 = arith.select %lt3A_325, %sub3A_324, %select_n3A_314 : vector<1152x128xi1>, vector<1152x128xf32>
    %jit3A_327 = arith.constant 25 : i32
    %broadcast_in_dim3A_328 = vector.broadcast %jit3A_327 : i32 to vector<1152x128xi32>
    %select_n3A_329 = arith.select %lt3A_325, %broadcast_in_dim3A_328, %select_n3A_317 : vector<1152x128xi1>, vector<1152x128xi32>
    %slice3A_330 = vector.extract_strided_slice %reduce_sum3A_206 {offsets = [1280], sizes = [128], strides = [1]} : vector<2048xf32> to vector<128xf32>
    %broadcast_in_dim3A_331 = vector.shape_cast %slice3A_330 : vector<128xf32> to vector<1x128xf32>
    %add3A_332 = vector.broadcast %broadcast_in_dim3A : vector<1152x1xf32> to vector<1152x128xf32>
    %add3A_333 = vector.broadcast %broadcast_in_dim3A_331 : vector<1x128xf32> to vector<1152x128xf32>
    %add3A_334 = arith.addf %add3A_332, %add3A_333 : vector<1152x128xf32>
    %slice3A_335 = vector.extract_strided_slice %dot_general3A_209 {offsets = [0, 1280], sizes = [1152, 128], strides = [1, 1]} : vector<1152x2048xf32> to vector<1152x128xf32>
    %sub3A_336 = arith.subf %add3A_334, %slice3A_335 : vector<1152x128xf32>
    %lt3A_337 = arith.cmpf olt, %sub3A_336, %select_n3A_326 : vector<1152x128xf32>
    %select_n3A_338 = arith.select %lt3A_337, %sub3A_336, %select_n3A_326 : vector<1152x128xi1>, vector<1152x128xf32>
    %jit3A_339 = arith.constant 26 : i32
    %broadcast_in_dim3A_340 = vector.broadcast %jit3A_339 : i32 to vector<1152x128xi32>
    %select_n3A_341 = arith.select %lt3A_337, %broadcast_in_dim3A_340, %select_n3A_329 : vector<1152x128xi1>, vector<1152x128xi32>
    %slice3A_342 = vector.extract_strided_slice %reduce_sum3A_206 {offsets = [1408], sizes = [128], strides = [1]} : vector<2048xf32> to vector<128xf32>
    %broadcast_in_dim3A_343 = vector.shape_cast %slice3A_342 : vector<128xf32> to vector<1x128xf32>
    %add3A_344 = vector.broadcast %broadcast_in_dim3A : vector<1152x1xf32> to vector<1152x128xf32>
    %add3A_345 = vector.broadcast %broadcast_in_dim3A_343 : vector<1x128xf32> to vector<1152x128xf32>
    %add3A_346 = arith.addf %add3A_344, %add3A_345 : vector<1152x128xf32>
    %slice3A_347 = vector.extract_strided_slice %dot_general3A_209 {offsets = [0, 1408], sizes = [1152, 128], strides = [1, 1]} : vector<1152x2048xf32> to vector<1152x128xf32>
    %sub3A_348 = arith.subf %add3A_346, %slice3A_347 : vector<1152x128xf32>
    %lt3A_349 = arith.cmpf olt, %sub3A_348, %select_n3A_338 : vector<1152x128xf32>
    %select_n3A_350 = arith.select %lt3A_349, %sub3A_348, %select_n3A_338 : vector<1152x128xi1>, vector<1152x128xf32>
    %jit3A_351 = arith.constant 27 : i32
    %broadcast_in_dim3A_352 = vector.broadcast %jit3A_351 : i32 to vector<1152x128xi32>
    %select_n3A_353 = arith.select %lt3A_349, %broadcast_in_dim3A_352, %select_n3A_341 : vector<1152x128xi1>, vector<1152x128xi32>
    %slice3A_354 = vector.extract_strided_slice %reduce_sum3A_206 {offsets = [1536], sizes = [128], strides = [1]} : vector<2048xf32> to vector<128xf32>
    %broadcast_in_dim3A_355 = vector.shape_cast %slice3A_354 : vector<128xf32> to vector<1x128xf32>
    %add3A_356 = vector.broadcast %broadcast_in_dim3A : vector<1152x1xf32> to vector<1152x128xf32>
    %add3A_357 = vector.broadcast %broadcast_in_dim3A_355 : vector<1x128xf32> to vector<1152x128xf32>
    %add3A_358 = arith.addf %add3A_356, %add3A_357 : vector<1152x128xf32>
    %slice3A_359 = vector.extract_strided_slice %dot_general3A_209 {offsets = [0, 1536], sizes = [1152, 128], strides = [1, 1]} : vector<1152x2048xf32> to vector<1152x128xf32>
    %sub3A_360 = arith.subf %add3A_358, %slice3A_359 : vector<1152x128xf32>
    %lt3A_361 = arith.cmpf olt, %sub3A_360, %select_n3A_350 : vector<1152x128xf32>
    %select_n3A_362 = arith.select %lt3A_361, %sub3A_360, %select_n3A_350 : vector<1152x128xi1>, vector<1152x128xf32>
    %jit3A_363 = arith.constant 28 : i32
    %broadcast_in_dim3A_364 = vector.broadcast %jit3A_363 : i32 to vector<1152x128xi32>
    %select_n3A_365 = arith.select %lt3A_361, %broadcast_in_dim3A_364, %select_n3A_353 : vector<1152x128xi1>, vector<1152x128xi32>
    %slice3A_366 = vector.extract_strided_slice %reduce_sum3A_206 {offsets = [1664], sizes = [128], strides = [1]} : vector<2048xf32> to vector<128xf32>
    %broadcast_in_dim3A_367 = vector.shape_cast %slice3A_366 : vector<128xf32> to vector<1x128xf32>
    %add3A_368 = vector.broadcast %broadcast_in_dim3A : vector<1152x1xf32> to vector<1152x128xf32>
    %add3A_369 = vector.broadcast %broadcast_in_dim3A_367 : vector<1x128xf32> to vector<1152x128xf32>
    %add3A_370 = arith.addf %add3A_368, %add3A_369 : vector<1152x128xf32>
    %slice3A_371 = vector.extract_strided_slice %dot_general3A_209 {offsets = [0, 1664], sizes = [1152, 128], strides = [1, 1]} : vector<1152x2048xf32> to vector<1152x128xf32>
    %sub3A_372 = arith.subf %add3A_370, %slice3A_371 : vector<1152x128xf32>
    %lt3A_373 = arith.cmpf olt, %sub3A_372, %select_n3A_362 : vector<1152x128xf32>
    %select_n3A_374 = arith.select %lt3A_373, %sub3A_372, %select_n3A_362 : vector<1152x128xi1>, vector<1152x128xf32>
    %jit3A_375 = arith.constant 29 : i32
    %broadcast_in_dim3A_376 = vector.broadcast %jit3A_375 : i32 to vector<1152x128xi32>
    %select_n3A_377 = arith.select %lt3A_373, %broadcast_in_dim3A_376, %select_n3A_365 : vector<1152x128xi1>, vector<1152x128xi32>
    %slice3A_378 = vector.extract_strided_slice %reduce_sum3A_206 {offsets = [1792], sizes = [128], strides = [1]} : vector<2048xf32> to vector<128xf32>
    %broadcast_in_dim3A_379 = vector.shape_cast %slice3A_378 : vector<128xf32> to vector<1x128xf32>
    %add3A_380 = vector.broadcast %broadcast_in_dim3A : vector<1152x1xf32> to vector<1152x128xf32>
    %add3A_381 = vector.broadcast %broadcast_in_dim3A_379 : vector<1x128xf32> to vector<1152x128xf32>
    %add3A_382 = arith.addf %add3A_380, %add3A_381 : vector<1152x128xf32>
    %slice3A_383 = vector.extract_strided_slice %dot_general3A_209 {offsets = [0, 1792], sizes = [1152, 128], strides = [1, 1]} : vector<1152x2048xf32> to vector<1152x128xf32>
    %sub3A_384 = arith.subf %add3A_382, %slice3A_383 : vector<1152x128xf32>
    %lt3A_385 = arith.cmpf olt, %sub3A_384, %select_n3A_374 : vector<1152x128xf32>
    %select_n3A_386 = arith.select %lt3A_385, %sub3A_384, %select_n3A_374 : vector<1152x128xi1>, vector<1152x128xf32>
    %jit3A_387 = arith.constant 30 : i32
    %broadcast_in_dim3A_388 = vector.broadcast %jit3A_387 : i32 to vector<1152x128xi32>
    %select_n3A_389 = arith.select %lt3A_385, %broadcast_in_dim3A_388, %select_n3A_377 : vector<1152x128xi1>, vector<1152x128xi32>
    %slice3A_390 = vector.extract_strided_slice %reduce_sum3A_206 {offsets = [1920], sizes = [128], strides = [1]} : vector<2048xf32> to vector<128xf32>
    %broadcast_in_dim3A_391 = vector.shape_cast %slice3A_390 : vector<128xf32> to vector<1x128xf32>
    %add3A_392 = vector.broadcast %broadcast_in_dim3A : vector<1152x1xf32> to vector<1152x128xf32>
    %add3A_393 = vector.broadcast %broadcast_in_dim3A_391 : vector<1x128xf32> to vector<1152x128xf32>
    %add3A_394 = arith.addf %add3A_392, %add3A_393 : vector<1152x128xf32>
    %slice3A_395 = vector.extract_strided_slice %dot_general3A_209 {offsets = [0, 1920], sizes = [1152, 128], strides = [1, 1]} : vector<1152x2048xf32> to vector<1152x128xf32>
    %sub3A_396 = arith.subf %add3A_394, %slice3A_395 : vector<1152x128xf32>
    %lt3A_397 = arith.cmpf olt, %sub3A_396, %select_n3A_386 : vector<1152x128xf32>
    %select_n3A_398 = arith.select %lt3A_397, %sub3A_396, %select_n3A_386 : vector<1152x128xi1>, vector<1152x128xf32>
    %jit3A_399 = arith.constant 31 : i32
    %broadcast_in_dim3A_400 = vector.broadcast %jit3A_399 : i32 to vector<1152x128xi32>
    %select_n3A_401 = arith.select %lt3A_397, %broadcast_in_dim3A_400, %select_n3A_389 : vector<1152x128xi1>, vector<1152x128xi32>
    %get3A_402 = arith.constant 4096 : index
    %get3A_403 = arith.constant 0 : index
    %get3A_404 = vector.load %arg2[%get3A_402, %get3A_403] : memref<8192x64xf32, #tpu.memory_space<vmem>>, vector<2048x64xf32>
    %integer_pow3A_405 = arith.mulf %get3A_404, %get3A_404 : vector<2048x64xf32>
    %reduce_sum3A_406 = arith.constant dense<0.000000e+00> : vector<2048xf32>
    %reduce_sum3A_407 = vector.multi_reduction <add>, %integer_pow3A_405, %reduce_sum3A_406 [1] : vector<2048x64xf32> to vector<2048xf32>
    %add3A_408 = arith.addf %get3A_404, %get3A_404 : vector<2048x64xf32>
    %dot_general3A_409 = arith.constant dense<0.000000e+00> : vector<1152x2048xf32>
    %dot_general3A_410 = tpu.matmul %get3A_1, %add3A_408, %dot_general3A_409 {dimension_numbers = #tpu.dot_dimension_numbers<[1], [1], [0], [0], [0, 0, 1, 0], [], []>, transpose_lhs_hint = false} : vector<1152x64xf32>, vector<2048x64xf32>, vector<1152x2048xf32> -> vector<1152x2048xf32>
    %slice3A_411 = vector.extract_strided_slice %reduce_sum3A_407 {offsets = [0], sizes = [128], strides = [1]} : vector<2048xf32> to vector<128xf32>
    %broadcast_in_dim3A_412 = vector.shape_cast %slice3A_411 : vector<128xf32> to vector<1x128xf32>
    %add3A_413 = vector.broadcast %broadcast_in_dim3A : vector<1152x1xf32> to vector<1152x128xf32>
    %add3A_414 = vector.broadcast %broadcast_in_dim3A_412 : vector<1x128xf32> to vector<1152x128xf32>
    %add3A_415 = arith.addf %add3A_413, %add3A_414 : vector<1152x128xf32>
    %slice3A_416 = vector.extract_strided_slice %dot_general3A_410 {offsets = [0, 0], sizes = [1152, 128], strides = [1, 1]} : vector<1152x2048xf32> to vector<1152x128xf32>
    %sub3A_417 = arith.subf %add3A_415, %slice3A_416 : vector<1152x128xf32>
    %lt3A_418 = arith.cmpf olt, %sub3A_417, %select_n3A_398 : vector<1152x128xf32>
    %select_n3A_419 = arith.select %lt3A_418, %sub3A_417, %select_n3A_398 : vector<1152x128xi1>, vector<1152x128xf32>
    %jit3A_420 = arith.constant 32 : i32
    %broadcast_in_dim3A_421 = vector.broadcast %jit3A_420 : i32 to vector<1152x128xi32>
    %select_n3A_422 = arith.select %lt3A_418, %broadcast_in_dim3A_421, %select_n3A_401 : vector<1152x128xi1>, vector<1152x128xi32>
    %slice3A_423 = vector.extract_strided_slice %reduce_sum3A_407 {offsets = [128], sizes = [128], strides = [1]} : vector<2048xf32> to vector<128xf32>
    %broadcast_in_dim3A_424 = vector.shape_cast %slice3A_423 : vector<128xf32> to vector<1x128xf32>
    %add3A_425 = vector.broadcast %broadcast_in_dim3A : vector<1152x1xf32> to vector<1152x128xf32>
    %add3A_426 = vector.broadcast %broadcast_in_dim3A_424 : vector<1x128xf32> to vector<1152x128xf32>
    %add3A_427 = arith.addf %add3A_425, %add3A_426 : vector<1152x128xf32>
    %slice3A_428 = vector.extract_strided_slice %dot_general3A_410 {offsets = [0, 128], sizes = [1152, 128], strides = [1, 1]} : vector<1152x2048xf32> to vector<1152x128xf32>
    %sub3A_429 = arith.subf %add3A_427, %slice3A_428 : vector<1152x128xf32>
    %lt3A_430 = arith.cmpf olt, %sub3A_429, %select_n3A_419 : vector<1152x128xf32>
    %select_n3A_431 = arith.select %lt3A_430, %sub3A_429, %select_n3A_419 : vector<1152x128xi1>, vector<1152x128xf32>
    %jit3A_432 = arith.constant 33 : i32
    %broadcast_in_dim3A_433 = vector.broadcast %jit3A_432 : i32 to vector<1152x128xi32>
    %select_n3A_434 = arith.select %lt3A_430, %broadcast_in_dim3A_433, %select_n3A_422 : vector<1152x128xi1>, vector<1152x128xi32>
    %slice3A_435 = vector.extract_strided_slice %reduce_sum3A_407 {offsets = [256], sizes = [128], strides = [1]} : vector<2048xf32> to vector<128xf32>
    %broadcast_in_dim3A_436 = vector.shape_cast %slice3A_435 : vector<128xf32> to vector<1x128xf32>
    %add3A_437 = vector.broadcast %broadcast_in_dim3A : vector<1152x1xf32> to vector<1152x128xf32>
    %add3A_438 = vector.broadcast %broadcast_in_dim3A_436 : vector<1x128xf32> to vector<1152x128xf32>
    %add3A_439 = arith.addf %add3A_437, %add3A_438 : vector<1152x128xf32>
    %slice3A_440 = vector.extract_strided_slice %dot_general3A_410 {offsets = [0, 256], sizes = [1152, 128], strides = [1, 1]} : vector<1152x2048xf32> to vector<1152x128xf32>
    %sub3A_441 = arith.subf %add3A_439, %slice3A_440 : vector<1152x128xf32>
    %lt3A_442 = arith.cmpf olt, %sub3A_441, %select_n3A_431 : vector<1152x128xf32>
    %select_n3A_443 = arith.select %lt3A_442, %sub3A_441, %select_n3A_431 : vector<1152x128xi1>, vector<1152x128xf32>
    %jit3A_444 = arith.constant 34 : i32
    %broadcast_in_dim3A_445 = vector.broadcast %jit3A_444 : i32 to vector<1152x128xi32>
    %select_n3A_446 = arith.select %lt3A_442, %broadcast_in_dim3A_445, %select_n3A_434 : vector<1152x128xi1>, vector<1152x128xi32>
    %slice3A_447 = vector.extract_strided_slice %reduce_sum3A_407 {offsets = [384], sizes = [128], strides = [1]} : vector<2048xf32> to vector<128xf32>
    %broadcast_in_dim3A_448 = vector.shape_cast %slice3A_447 : vector<128xf32> to vector<1x128xf32>
    %add3A_449 = vector.broadcast %broadcast_in_dim3A : vector<1152x1xf32> to vector<1152x128xf32>
    %add3A_450 = vector.broadcast %broadcast_in_dim3A_448 : vector<1x128xf32> to vector<1152x128xf32>
    %add3A_451 = arith.addf %add3A_449, %add3A_450 : vector<1152x128xf32>
    %slice3A_452 = vector.extract_strided_slice %dot_general3A_410 {offsets = [0, 384], sizes = [1152, 128], strides = [1, 1]} : vector<1152x2048xf32> to vector<1152x128xf32>
    %sub3A_453 = arith.subf %add3A_451, %slice3A_452 : vector<1152x128xf32>
    %lt3A_454 = arith.cmpf olt, %sub3A_453, %select_n3A_443 : vector<1152x128xf32>
    %select_n3A_455 = arith.select %lt3A_454, %sub3A_453, %select_n3A_443 : vector<1152x128xi1>, vector<1152x128xf32>
    %jit3A_456 = arith.constant 35 : i32
    %broadcast_in_dim3A_457 = vector.broadcast %jit3A_456 : i32 to vector<1152x128xi32>
    %select_n3A_458 = arith.select %lt3A_454, %broadcast_in_dim3A_457, %select_n3A_446 : vector<1152x128xi1>, vector<1152x128xi32>
    %slice3A_459 = vector.extract_strided_slice %reduce_sum3A_407 {offsets = [512], sizes = [128], strides = [1]} : vector<2048xf32> to vector<128xf32>
    %broadcast_in_dim3A_460 = vector.shape_cast %slice3A_459 : vector<128xf32> to vector<1x128xf32>
    %add3A_461 = vector.broadcast %broadcast_in_dim3A : vector<1152x1xf32> to vector<1152x128xf32>
    %add3A_462 = vector.broadcast %broadcast_in_dim3A_460 : vector<1x128xf32> to vector<1152x128xf32>
    %add3A_463 = arith.addf %add3A_461, %add3A_462 : vector<1152x128xf32>
    %slice3A_464 = vector.extract_strided_slice %dot_general3A_410 {offsets = [0, 512], sizes = [1152, 128], strides = [1, 1]} : vector<1152x2048xf32> to vector<1152x128xf32>
    %sub3A_465 = arith.subf %add3A_463, %slice3A_464 : vector<1152x128xf32>
    %lt3A_466 = arith.cmpf olt, %sub3A_465, %select_n3A_455 : vector<1152x128xf32>
    %select_n3A_467 = arith.select %lt3A_466, %sub3A_465, %select_n3A_455 : vector<1152x128xi1>, vector<1152x128xf32>
    %jit3A_468 = arith.constant 36 : i32
    %broadcast_in_dim3A_469 = vector.broadcast %jit3A_468 : i32 to vector<1152x128xi32>
    %select_n3A_470 = arith.select %lt3A_466, %broadcast_in_dim3A_469, %select_n3A_458 : vector<1152x128xi1>, vector<1152x128xi32>
    %slice3A_471 = vector.extract_strided_slice %reduce_sum3A_407 {offsets = [640], sizes = [128], strides = [1]} : vector<2048xf32> to vector<128xf32>
    %broadcast_in_dim3A_472 = vector.shape_cast %slice3A_471 : vector<128xf32> to vector<1x128xf32>
    %add3A_473 = vector.broadcast %broadcast_in_dim3A : vector<1152x1xf32> to vector<1152x128xf32>
    %add3A_474 = vector.broadcast %broadcast_in_dim3A_472 : vector<1x128xf32> to vector<1152x128xf32>
    %add3A_475 = arith.addf %add3A_473, %add3A_474 : vector<1152x128xf32>
    %slice3A_476 = vector.extract_strided_slice %dot_general3A_410 {offsets = [0, 640], sizes = [1152, 128], strides = [1, 1]} : vector<1152x2048xf32> to vector<1152x128xf32>
    %sub3A_477 = arith.subf %add3A_475, %slice3A_476 : vector<1152x128xf32>
    %lt3A_478 = arith.cmpf olt, %sub3A_477, %select_n3A_467 : vector<1152x128xf32>
    %select_n3A_479 = arith.select %lt3A_478, %sub3A_477, %select_n3A_467 : vector<1152x128xi1>, vector<1152x128xf32>
    %jit3A_480 = arith.constant 37 : i32
    %broadcast_in_dim3A_481 = vector.broadcast %jit3A_480 : i32 to vector<1152x128xi32>
    %select_n3A_482 = arith.select %lt3A_478, %broadcast_in_dim3A_481, %select_n3A_470 : vector<1152x128xi1>, vector<1152x128xi32>
    %slice3A_483 = vector.extract_strided_slice %reduce_sum3A_407 {offsets = [768], sizes = [128], strides = [1]} : vector<2048xf32> to vector<128xf32>
    %broadcast_in_dim3A_484 = vector.shape_cast %slice3A_483 : vector<128xf32> to vector<1x128xf32>
    %add3A_485 = vector.broadcast %broadcast_in_dim3A : vector<1152x1xf32> to vector<1152x128xf32>
    %add3A_486 = vector.broadcast %broadcast_in_dim3A_484 : vector<1x128xf32> to vector<1152x128xf32>
    %add3A_487 = arith.addf %add3A_485, %add3A_486 : vector<1152x128xf32>
    %slice3A_488 = vector.extract_strided_slice %dot_general3A_410 {offsets = [0, 768], sizes = [1152, 128], strides = [1, 1]} : vector<1152x2048xf32> to vector<1152x128xf32>
    %sub3A_489 = arith.subf %add3A_487, %slice3A_488 : vector<1152x128xf32>
    %lt3A_490 = arith.cmpf olt, %sub3A_489, %select_n3A_479 : vector<1152x128xf32>
    %select_n3A_491 = arith.select %lt3A_490, %sub3A_489, %select_n3A_479 : vector<1152x128xi1>, vector<1152x128xf32>
    %jit3A_492 = arith.constant 38 : i32
    %broadcast_in_dim3A_493 = vector.broadcast %jit3A_492 : i32 to vector<1152x128xi32>
    %select_n3A_494 = arith.select %lt3A_490, %broadcast_in_dim3A_493, %select_n3A_482 : vector<1152x128xi1>, vector<1152x128xi32>
    %slice3A_495 = vector.extract_strided_slice %reduce_sum3A_407 {offsets = [896], sizes = [128], strides = [1]} : vector<2048xf32> to vector<128xf32>
    %broadcast_in_dim3A_496 = vector.shape_cast %slice3A_495 : vector<128xf32> to vector<1x128xf32>
    %add3A_497 = vector.broadcast %broadcast_in_dim3A : vector<1152x1xf32> to vector<1152x128xf32>
    %add3A_498 = vector.broadcast %broadcast_in_dim3A_496 : vector<1x128xf32> to vector<1152x128xf32>
    %add3A_499 = arith.addf %add3A_497, %add3A_498 : vector<1152x128xf32>
    %slice3A_500 = vector.extract_strided_slice %dot_general3A_410 {offsets = [0, 896], sizes = [1152, 128], strides = [1, 1]} : vector<1152x2048xf32> to vector<1152x128xf32>
    %sub3A_501 = arith.subf %add3A_499, %slice3A_500 : vector<1152x128xf32>
    %lt3A_502 = arith.cmpf olt, %sub3A_501, %select_n3A_491 : vector<1152x128xf32>
    %select_n3A_503 = arith.select %lt3A_502, %sub3A_501, %select_n3A_491 : vector<1152x128xi1>, vector<1152x128xf32>
    %jit3A_504 = arith.constant 39 : i32
    %broadcast_in_dim3A_505 = vector.broadcast %jit3A_504 : i32 to vector<1152x128xi32>
    %select_n3A_506 = arith.select %lt3A_502, %broadcast_in_dim3A_505, %select_n3A_494 : vector<1152x128xi1>, vector<1152x128xi32>
    %slice3A_507 = vector.extract_strided_slice %reduce_sum3A_407 {offsets = [1024], sizes = [128], strides = [1]} : vector<2048xf32> to vector<128xf32>
    %broadcast_in_dim3A_508 = vector.shape_cast %slice3A_507 : vector<128xf32> to vector<1x128xf32>
    %add3A_509 = vector.broadcast %broadcast_in_dim3A : vector<1152x1xf32> to vector<1152x128xf32>
    %add3A_510 = vector.broadcast %broadcast_in_dim3A_508 : vector<1x128xf32> to vector<1152x128xf32>
    %add3A_511 = arith.addf %add3A_509, %add3A_510 : vector<1152x128xf32>
    %slice3A_512 = vector.extract_strided_slice %dot_general3A_410 {offsets = [0, 1024], sizes = [1152, 128], strides = [1, 1]} : vector<1152x2048xf32> to vector<1152x128xf32>
    %sub3A_513 = arith.subf %add3A_511, %slice3A_512 : vector<1152x128xf32>
    %lt3A_514 = arith.cmpf olt, %sub3A_513, %select_n3A_503 : vector<1152x128xf32>
    %select_n3A_515 = arith.select %lt3A_514, %sub3A_513, %select_n3A_503 : vector<1152x128xi1>, vector<1152x128xf32>
    %jit3A_516 = arith.constant 40 : i32
    %broadcast_in_dim3A_517 = vector.broadcast %jit3A_516 : i32 to vector<1152x128xi32>
    %select_n3A_518 = arith.select %lt3A_514, %broadcast_in_dim3A_517, %select_n3A_506 : vector<1152x128xi1>, vector<1152x128xi32>
    %slice3A_519 = vector.extract_strided_slice %reduce_sum3A_407 {offsets = [1152], sizes = [128], strides = [1]} : vector<2048xf32> to vector<128xf32>
    %broadcast_in_dim3A_520 = vector.shape_cast %slice3A_519 : vector<128xf32> to vector<1x128xf32>
    %add3A_521 = vector.broadcast %broadcast_in_dim3A : vector<1152x1xf32> to vector<1152x128xf32>
    %add3A_522 = vector.broadcast %broadcast_in_dim3A_520 : vector<1x128xf32> to vector<1152x128xf32>
    %add3A_523 = arith.addf %add3A_521, %add3A_522 : vector<1152x128xf32>
    %slice3A_524 = vector.extract_strided_slice %dot_general3A_410 {offsets = [0, 1152], sizes = [1152, 128], strides = [1, 1]} : vector<1152x2048xf32> to vector<1152x128xf32>
    %sub3A_525 = arith.subf %add3A_523, %slice3A_524 : vector<1152x128xf32>
    %lt3A_526 = arith.cmpf olt, %sub3A_525, %select_n3A_515 : vector<1152x128xf32>
    %select_n3A_527 = arith.select %lt3A_526, %sub3A_525, %select_n3A_515 : vector<1152x128xi1>, vector<1152x128xf32>
    %jit3A_528 = arith.constant 41 : i32
    %broadcast_in_dim3A_529 = vector.broadcast %jit3A_528 : i32 to vector<1152x128xi32>
    %select_n3A_530 = arith.select %lt3A_526, %broadcast_in_dim3A_529, %select_n3A_518 : vector<1152x128xi1>, vector<1152x128xi32>
    %slice3A_531 = vector.extract_strided_slice %reduce_sum3A_407 {offsets = [1280], sizes = [128], strides = [1]} : vector<2048xf32> to vector<128xf32>
    %broadcast_in_dim3A_532 = vector.shape_cast %slice3A_531 : vector<128xf32> to vector<1x128xf32>
    %add3A_533 = vector.broadcast %broadcast_in_dim3A : vector<1152x1xf32> to vector<1152x128xf32>
    %add3A_534 = vector.broadcast %broadcast_in_dim3A_532 : vector<1x128xf32> to vector<1152x128xf32>
    %add3A_535 = arith.addf %add3A_533, %add3A_534 : vector<1152x128xf32>
    %slice3A_536 = vector.extract_strided_slice %dot_general3A_410 {offsets = [0, 1280], sizes = [1152, 128], strides = [1, 1]} : vector<1152x2048xf32> to vector<1152x128xf32>
    %sub3A_537 = arith.subf %add3A_535, %slice3A_536 : vector<1152x128xf32>
    %lt3A_538 = arith.cmpf olt, %sub3A_537, %select_n3A_527 : vector<1152x128xf32>
    %select_n3A_539 = arith.select %lt3A_538, %sub3A_537, %select_n3A_527 : vector<1152x128xi1>, vector<1152x128xf32>
    %jit3A_540 = arith.constant 42 : i32
    %broadcast_in_dim3A_541 = vector.broadcast %jit3A_540 : i32 to vector<1152x128xi32>
    %select_n3A_542 = arith.select %lt3A_538, %broadcast_in_dim3A_541, %select_n3A_530 : vector<1152x128xi1>, vector<1152x128xi32>
    %slice3A_543 = vector.extract_strided_slice %reduce_sum3A_407 {offsets = [1408], sizes = [128], strides = [1]} : vector<2048xf32> to vector<128xf32>
    %broadcast_in_dim3A_544 = vector.shape_cast %slice3A_543 : vector<128xf32> to vector<1x128xf32>
    %add3A_545 = vector.broadcast %broadcast_in_dim3A : vector<1152x1xf32> to vector<1152x128xf32>
    %add3A_546 = vector.broadcast %broadcast_in_dim3A_544 : vector<1x128xf32> to vector<1152x128xf32>
    %add3A_547 = arith.addf %add3A_545, %add3A_546 : vector<1152x128xf32>
    %slice3A_548 = vector.extract_strided_slice %dot_general3A_410 {offsets = [0, 1408], sizes = [1152, 128], strides = [1, 1]} : vector<1152x2048xf32> to vector<1152x128xf32>
    %sub3A_549 = arith.subf %add3A_547, %slice3A_548 : vector<1152x128xf32>
    %lt3A_550 = arith.cmpf olt, %sub3A_549, %select_n3A_539 : vector<1152x128xf32>
    %select_n3A_551 = arith.select %lt3A_550, %sub3A_549, %select_n3A_539 : vector<1152x128xi1>, vector<1152x128xf32>
    %jit3A_552 = arith.constant 43 : i32
    %broadcast_in_dim3A_553 = vector.broadcast %jit3A_552 : i32 to vector<1152x128xi32>
    %select_n3A_554 = arith.select %lt3A_550, %broadcast_in_dim3A_553, %select_n3A_542 : vector<1152x128xi1>, vector<1152x128xi32>
    %slice3A_555 = vector.extract_strided_slice %reduce_sum3A_407 {offsets = [1536], sizes = [128], strides = [1]} : vector<2048xf32> to vector<128xf32>
    %broadcast_in_dim3A_556 = vector.shape_cast %slice3A_555 : vector<128xf32> to vector<1x128xf32>
    %add3A_557 = vector.broadcast %broadcast_in_dim3A : vector<1152x1xf32> to vector<1152x128xf32>
    %add3A_558 = vector.broadcast %broadcast_in_dim3A_556 : vector<1x128xf32> to vector<1152x128xf32>
    %add3A_559 = arith.addf %add3A_557, %add3A_558 : vector<1152x128xf32>
    %slice3A_560 = vector.extract_strided_slice %dot_general3A_410 {offsets = [0, 1536], sizes = [1152, 128], strides = [1, 1]} : vector<1152x2048xf32> to vector<1152x128xf32>
    %sub3A_561 = arith.subf %add3A_559, %slice3A_560 : vector<1152x128xf32>
    %lt3A_562 = arith.cmpf olt, %sub3A_561, %select_n3A_551 : vector<1152x128xf32>
    %select_n3A_563 = arith.select %lt3A_562, %sub3A_561, %select_n3A_551 : vector<1152x128xi1>, vector<1152x128xf32>
    %jit3A_564 = arith.constant 44 : i32
    %broadcast_in_dim3A_565 = vector.broadcast %jit3A_564 : i32 to vector<1152x128xi32>
    %select_n3A_566 = arith.select %lt3A_562, %broadcast_in_dim3A_565, %select_n3A_554 : vector<1152x128xi1>, vector<1152x128xi32>
    %slice3A_567 = vector.extract_strided_slice %reduce_sum3A_407 {offsets = [1664], sizes = [128], strides = [1]} : vector<2048xf32> to vector<128xf32>
    %broadcast_in_dim3A_568 = vector.shape_cast %slice3A_567 : vector<128xf32> to vector<1x128xf32>
    %add3A_569 = vector.broadcast %broadcast_in_dim3A : vector<1152x1xf32> to vector<1152x128xf32>
    %add3A_570 = vector.broadcast %broadcast_in_dim3A_568 : vector<1x128xf32> to vector<1152x128xf32>
    %add3A_571 = arith.addf %add3A_569, %add3A_570 : vector<1152x128xf32>
    %slice3A_572 = vector.extract_strided_slice %dot_general3A_410 {offsets = [0, 1664], sizes = [1152, 128], strides = [1, 1]} : vector<1152x2048xf32> to vector<1152x128xf32>
    %sub3A_573 = arith.subf %add3A_571, %slice3A_572 : vector<1152x128xf32>
    %lt3A_574 = arith.cmpf olt, %sub3A_573, %select_n3A_563 : vector<1152x128xf32>
    %select_n3A_575 = arith.select %lt3A_574, %sub3A_573, %select_n3A_563 : vector<1152x128xi1>, vector<1152x128xf32>
    %jit3A_576 = arith.constant 45 : i32
    %broadcast_in_dim3A_577 = vector.broadcast %jit3A_576 : i32 to vector<1152x128xi32>
    %select_n3A_578 = arith.select %lt3A_574, %broadcast_in_dim3A_577, %select_n3A_566 : vector<1152x128xi1>, vector<1152x128xi32>
    %slice3A_579 = vector.extract_strided_slice %reduce_sum3A_407 {offsets = [1792], sizes = [128], strides = [1]} : vector<2048xf32> to vector<128xf32>
    %broadcast_in_dim3A_580 = vector.shape_cast %slice3A_579 : vector<128xf32> to vector<1x128xf32>
    %add3A_581 = vector.broadcast %broadcast_in_dim3A : vector<1152x1xf32> to vector<1152x128xf32>
    %add3A_582 = vector.broadcast %broadcast_in_dim3A_580 : vector<1x128xf32> to vector<1152x128xf32>
    %add3A_583 = arith.addf %add3A_581, %add3A_582 : vector<1152x128xf32>
    %slice3A_584 = vector.extract_strided_slice %dot_general3A_410 {offsets = [0, 1792], sizes = [1152, 128], strides = [1, 1]} : vector<1152x2048xf32> to vector<1152x128xf32>
    %sub3A_585 = arith.subf %add3A_583, %slice3A_584 : vector<1152x128xf32>
    %lt3A_586 = arith.cmpf olt, %sub3A_585, %select_n3A_575 : vector<1152x128xf32>
    %select_n3A_587 = arith.select %lt3A_586, %sub3A_585, %select_n3A_575 : vector<1152x128xi1>, vector<1152x128xf32>
    %jit3A_588 = arith.constant 46 : i32
    %broadcast_in_dim3A_589 = vector.broadcast %jit3A_588 : i32 to vector<1152x128xi32>
    %select_n3A_590 = arith.select %lt3A_586, %broadcast_in_dim3A_589, %select_n3A_578 : vector<1152x128xi1>, vector<1152x128xi32>
    %slice3A_591 = vector.extract_strided_slice %reduce_sum3A_407 {offsets = [1920], sizes = [128], strides = [1]} : vector<2048xf32> to vector<128xf32>
    %broadcast_in_dim3A_592 = vector.shape_cast %slice3A_591 : vector<128xf32> to vector<1x128xf32>
    %add3A_593 = vector.broadcast %broadcast_in_dim3A : vector<1152x1xf32> to vector<1152x128xf32>
    %add3A_594 = vector.broadcast %broadcast_in_dim3A_592 : vector<1x128xf32> to vector<1152x128xf32>
    %add3A_595 = arith.addf %add3A_593, %add3A_594 : vector<1152x128xf32>
    %slice3A_596 = vector.extract_strided_slice %dot_general3A_410 {offsets = [0, 1920], sizes = [1152, 128], strides = [1, 1]} : vector<1152x2048xf32> to vector<1152x128xf32>
    %sub3A_597 = arith.subf %add3A_595, %slice3A_596 : vector<1152x128xf32>
    %lt3A_598 = arith.cmpf olt, %sub3A_597, %select_n3A_587 : vector<1152x128xf32>
    %select_n3A_599 = arith.select %lt3A_598, %sub3A_597, %select_n3A_587 : vector<1152x128xi1>, vector<1152x128xf32>
    %jit3A_600 = arith.constant 47 : i32
    %broadcast_in_dim3A_601 = vector.broadcast %jit3A_600 : i32 to vector<1152x128xi32>
    %select_n3A_602 = arith.select %lt3A_598, %broadcast_in_dim3A_601, %select_n3A_590 : vector<1152x128xi1>, vector<1152x128xi32>
    %get3A_603 = arith.constant 6144 : index
    %get3A_604 = arith.constant 0 : index
    %get3A_605 = vector.load %arg2[%get3A_603, %get3A_604] : memref<8192x64xf32, #tpu.memory_space<vmem>>, vector<2048x64xf32>
    %integer_pow3A_606 = arith.mulf %get3A_605, %get3A_605 : vector<2048x64xf32>
    %reduce_sum3A_607 = arith.constant dense<0.000000e+00> : vector<2048xf32>
    %reduce_sum3A_608 = vector.multi_reduction <add>, %integer_pow3A_606, %reduce_sum3A_607 [1] : vector<2048x64xf32> to vector<2048xf32>
    %add3A_609 = arith.addf %get3A_605, %get3A_605 : vector<2048x64xf32>
    %dot_general3A_610 = arith.constant dense<0.000000e+00> : vector<1152x2048xf32>
    %dot_general3A_611 = tpu.matmul %get3A_1, %add3A_609, %dot_general3A_610 {dimension_numbers = #tpu.dot_dimension_numbers<[1], [1], [0], [0], [0, 0, 1, 0], [], []>, transpose_lhs_hint = false} : vector<1152x64xf32>, vector<2048x64xf32>, vector<1152x2048xf32> -> vector<1152x2048xf32>
    %slice3A_612 = vector.extract_strided_slice %reduce_sum3A_608 {offsets = [0], sizes = [128], strides = [1]} : vector<2048xf32> to vector<128xf32>
    %broadcast_in_dim3A_613 = vector.shape_cast %slice3A_612 : vector<128xf32> to vector<1x128xf32>
    %add3A_614 = vector.broadcast %broadcast_in_dim3A : vector<1152x1xf32> to vector<1152x128xf32>
    %add3A_615 = vector.broadcast %broadcast_in_dim3A_613 : vector<1x128xf32> to vector<1152x128xf32>
    %add3A_616 = arith.addf %add3A_614, %add3A_615 : vector<1152x128xf32>
    %slice3A_617 = vector.extract_strided_slice %dot_general3A_611 {offsets = [0, 0], sizes = [1152, 128], strides = [1, 1]} : vector<1152x2048xf32> to vector<1152x128xf32>
    %sub3A_618 = arith.subf %add3A_616, %slice3A_617 : vector<1152x128xf32>
    %lt3A_619 = arith.cmpf olt, %sub3A_618, %select_n3A_599 : vector<1152x128xf32>
    %select_n3A_620 = arith.select %lt3A_619, %sub3A_618, %select_n3A_599 : vector<1152x128xi1>, vector<1152x128xf32>
    %jit3A_621 = arith.constant 48 : i32
    %broadcast_in_dim3A_622 = vector.broadcast %jit3A_621 : i32 to vector<1152x128xi32>
    %select_n3A_623 = arith.select %lt3A_619, %broadcast_in_dim3A_622, %select_n3A_602 : vector<1152x128xi1>, vector<1152x128xi32>
    %slice3A_624 = vector.extract_strided_slice %reduce_sum3A_608 {offsets = [128], sizes = [128], strides = [1]} : vector<2048xf32> to vector<128xf32>
    %broadcast_in_dim3A_625 = vector.shape_cast %slice3A_624 : vector<128xf32> to vector<1x128xf32>
    %add3A_626 = vector.broadcast %broadcast_in_dim3A : vector<1152x1xf32> to vector<1152x128xf32>
    %add3A_627 = vector.broadcast %broadcast_in_dim3A_625 : vector<1x128xf32> to vector<1152x128xf32>
    %add3A_628 = arith.addf %add3A_626, %add3A_627 : vector<1152x128xf32>
    %slice3A_629 = vector.extract_strided_slice %dot_general3A_611 {offsets = [0, 128], sizes = [1152, 128], strides = [1, 1]} : vector<1152x2048xf32> to vector<1152x128xf32>
    %sub3A_630 = arith.subf %add3A_628, %slice3A_629 : vector<1152x128xf32>
    %lt3A_631 = arith.cmpf olt, %sub3A_630, %select_n3A_620 : vector<1152x128xf32>
    %select_n3A_632 = arith.select %lt3A_631, %sub3A_630, %select_n3A_620 : vector<1152x128xi1>, vector<1152x128xf32>
    %jit3A_633 = arith.constant 49 : i32
    %broadcast_in_dim3A_634 = vector.broadcast %jit3A_633 : i32 to vector<1152x128xi32>
    %select_n3A_635 = arith.select %lt3A_631, %broadcast_in_dim3A_634, %select_n3A_623 : vector<1152x128xi1>, vector<1152x128xi32>
    %slice3A_636 = vector.extract_strided_slice %reduce_sum3A_608 {offsets = [256], sizes = [128], strides = [1]} : vector<2048xf32> to vector<128xf32>
    %broadcast_in_dim3A_637 = vector.shape_cast %slice3A_636 : vector<128xf32> to vector<1x128xf32>
    %add3A_638 = vector.broadcast %broadcast_in_dim3A : vector<1152x1xf32> to vector<1152x128xf32>
    %add3A_639 = vector.broadcast %broadcast_in_dim3A_637 : vector<1x128xf32> to vector<1152x128xf32>
    %add3A_640 = arith.addf %add3A_638, %add3A_639 : vector<1152x128xf32>
    %slice3A_641 = vector.extract_strided_slice %dot_general3A_611 {offsets = [0, 256], sizes = [1152, 128], strides = [1, 1]} : vector<1152x2048xf32> to vector<1152x128xf32>
    %sub3A_642 = arith.subf %add3A_640, %slice3A_641 : vector<1152x128xf32>
    %lt3A_643 = arith.cmpf olt, %sub3A_642, %select_n3A_632 : vector<1152x128xf32>
    %select_n3A_644 = arith.select %lt3A_643, %sub3A_642, %select_n3A_632 : vector<1152x128xi1>, vector<1152x128xf32>
    %jit3A_645 = arith.constant 50 : i32
    %broadcast_in_dim3A_646 = vector.broadcast %jit3A_645 : i32 to vector<1152x128xi32>
    %select_n3A_647 = arith.select %lt3A_643, %broadcast_in_dim3A_646, %select_n3A_635 : vector<1152x128xi1>, vector<1152x128xi32>
    %slice3A_648 = vector.extract_strided_slice %reduce_sum3A_608 {offsets = [384], sizes = [128], strides = [1]} : vector<2048xf32> to vector<128xf32>
    %broadcast_in_dim3A_649 = vector.shape_cast %slice3A_648 : vector<128xf32> to vector<1x128xf32>
    %add3A_650 = vector.broadcast %broadcast_in_dim3A : vector<1152x1xf32> to vector<1152x128xf32>
    %add3A_651 = vector.broadcast %broadcast_in_dim3A_649 : vector<1x128xf32> to vector<1152x128xf32>
    %add3A_652 = arith.addf %add3A_650, %add3A_651 : vector<1152x128xf32>
    %slice3A_653 = vector.extract_strided_slice %dot_general3A_611 {offsets = [0, 384], sizes = [1152, 128], strides = [1, 1]} : vector<1152x2048xf32> to vector<1152x128xf32>
    %sub3A_654 = arith.subf %add3A_652, %slice3A_653 : vector<1152x128xf32>
    %lt3A_655 = arith.cmpf olt, %sub3A_654, %select_n3A_644 : vector<1152x128xf32>
    %select_n3A_656 = arith.select %lt3A_655, %sub3A_654, %select_n3A_644 : vector<1152x128xi1>, vector<1152x128xf32>
    %jit3A_657 = arith.constant 51 : i32
    %broadcast_in_dim3A_658 = vector.broadcast %jit3A_657 : i32 to vector<1152x128xi32>
    %select_n3A_659 = arith.select %lt3A_655, %broadcast_in_dim3A_658, %select_n3A_647 : vector<1152x128xi1>, vector<1152x128xi32>
    %slice3A_660 = vector.extract_strided_slice %reduce_sum3A_608 {offsets = [512], sizes = [128], strides = [1]} : vector<2048xf32> to vector<128xf32>
    %broadcast_in_dim3A_661 = vector.shape_cast %slice3A_660 : vector<128xf32> to vector<1x128xf32>
    %add3A_662 = vector.broadcast %broadcast_in_dim3A : vector<1152x1xf32> to vector<1152x128xf32>
    %add3A_663 = vector.broadcast %broadcast_in_dim3A_661 : vector<1x128xf32> to vector<1152x128xf32>
    %add3A_664 = arith.addf %add3A_662, %add3A_663 : vector<1152x128xf32>
    %slice3A_665 = vector.extract_strided_slice %dot_general3A_611 {offsets = [0, 512], sizes = [1152, 128], strides = [1, 1]} : vector<1152x2048xf32> to vector<1152x128xf32>
    %sub3A_666 = arith.subf %add3A_664, %slice3A_665 : vector<1152x128xf32>
    %lt3A_667 = arith.cmpf olt, %sub3A_666, %select_n3A_656 : vector<1152x128xf32>
    %select_n3A_668 = arith.select %lt3A_667, %sub3A_666, %select_n3A_656 : vector<1152x128xi1>, vector<1152x128xf32>
    %jit3A_669 = arith.constant 52 : i32
    %broadcast_in_dim3A_670 = vector.broadcast %jit3A_669 : i32 to vector<1152x128xi32>
    %select_n3A_671 = arith.select %lt3A_667, %broadcast_in_dim3A_670, %select_n3A_659 : vector<1152x128xi1>, vector<1152x128xi32>
    %slice3A_672 = vector.extract_strided_slice %reduce_sum3A_608 {offsets = [640], sizes = [128], strides = [1]} : vector<2048xf32> to vector<128xf32>
    %broadcast_in_dim3A_673 = vector.shape_cast %slice3A_672 : vector<128xf32> to vector<1x128xf32>
    %add3A_674 = vector.broadcast %broadcast_in_dim3A : vector<1152x1xf32> to vector<1152x128xf32>
    %add3A_675 = vector.broadcast %broadcast_in_dim3A_673 : vector<1x128xf32> to vector<1152x128xf32>
    %add3A_676 = arith.addf %add3A_674, %add3A_675 : vector<1152x128xf32>
    %slice3A_677 = vector.extract_strided_slice %dot_general3A_611 {offsets = [0, 640], sizes = [1152, 128], strides = [1, 1]} : vector<1152x2048xf32> to vector<1152x128xf32>
    %sub3A_678 = arith.subf %add3A_676, %slice3A_677 : vector<1152x128xf32>
    %lt3A_679 = arith.cmpf olt, %sub3A_678, %select_n3A_668 : vector<1152x128xf32>
    %select_n3A_680 = arith.select %lt3A_679, %sub3A_678, %select_n3A_668 : vector<1152x128xi1>, vector<1152x128xf32>
    %jit3A_681 = arith.constant 53 : i32
    %broadcast_in_dim3A_682 = vector.broadcast %jit3A_681 : i32 to vector<1152x128xi32>
    %select_n3A_683 = arith.select %lt3A_679, %broadcast_in_dim3A_682, %select_n3A_671 : vector<1152x128xi1>, vector<1152x128xi32>
    %slice3A_684 = vector.extract_strided_slice %reduce_sum3A_608 {offsets = [768], sizes = [128], strides = [1]} : vector<2048xf32> to vector<128xf32>
    %broadcast_in_dim3A_685 = vector.shape_cast %slice3A_684 : vector<128xf32> to vector<1x128xf32>
    %add3A_686 = vector.broadcast %broadcast_in_dim3A : vector<1152x1xf32> to vector<1152x128xf32>
    %add3A_687 = vector.broadcast %broadcast_in_dim3A_685 : vector<1x128xf32> to vector<1152x128xf32>
    %add3A_688 = arith.addf %add3A_686, %add3A_687 : vector<1152x128xf32>
    %slice3A_689 = vector.extract_strided_slice %dot_general3A_611 {offsets = [0, 768], sizes = [1152, 128], strides = [1, 1]} : vector<1152x2048xf32> to vector<1152x128xf32>
    %sub3A_690 = arith.subf %add3A_688, %slice3A_689 : vector<1152x128xf32>
    %lt3A_691 = arith.cmpf olt, %sub3A_690, %select_n3A_680 : vector<1152x128xf32>
    %select_n3A_692 = arith.select %lt3A_691, %sub3A_690, %select_n3A_680 : vector<1152x128xi1>, vector<1152x128xf32>
    %jit3A_693 = arith.constant 54 : i32
    %broadcast_in_dim3A_694 = vector.broadcast %jit3A_693 : i32 to vector<1152x128xi32>
    %select_n3A_695 = arith.select %lt3A_691, %broadcast_in_dim3A_694, %select_n3A_683 : vector<1152x128xi1>, vector<1152x128xi32>
    %slice3A_696 = vector.extract_strided_slice %reduce_sum3A_608 {offsets = [896], sizes = [128], strides = [1]} : vector<2048xf32> to vector<128xf32>
    %broadcast_in_dim3A_697 = vector.shape_cast %slice3A_696 : vector<128xf32> to vector<1x128xf32>
    %add3A_698 = vector.broadcast %broadcast_in_dim3A : vector<1152x1xf32> to vector<1152x128xf32>
    %add3A_699 = vector.broadcast %broadcast_in_dim3A_697 : vector<1x128xf32> to vector<1152x128xf32>
    %add3A_700 = arith.addf %add3A_698, %add3A_699 : vector<1152x128xf32>
    %slice3A_701 = vector.extract_strided_slice %dot_general3A_611 {offsets = [0, 896], sizes = [1152, 128], strides = [1, 1]} : vector<1152x2048xf32> to vector<1152x128xf32>
    %sub3A_702 = arith.subf %add3A_700, %slice3A_701 : vector<1152x128xf32>
    %lt3A_703 = arith.cmpf olt, %sub3A_702, %select_n3A_692 : vector<1152x128xf32>
    %select_n3A_704 = arith.select %lt3A_703, %sub3A_702, %select_n3A_692 : vector<1152x128xi1>, vector<1152x128xf32>
    %jit3A_705 = arith.constant 55 : i32
    %broadcast_in_dim3A_706 = vector.broadcast %jit3A_705 : i32 to vector<1152x128xi32>
    %select_n3A_707 = arith.select %lt3A_703, %broadcast_in_dim3A_706, %select_n3A_695 : vector<1152x128xi1>, vector<1152x128xi32>
    %slice3A_708 = vector.extract_strided_slice %reduce_sum3A_608 {offsets = [1024], sizes = [128], strides = [1]} : vector<2048xf32> to vector<128xf32>
    %broadcast_in_dim3A_709 = vector.shape_cast %slice3A_708 : vector<128xf32> to vector<1x128xf32>
    %add3A_710 = vector.broadcast %broadcast_in_dim3A : vector<1152x1xf32> to vector<1152x128xf32>
    %add3A_711 = vector.broadcast %broadcast_in_dim3A_709 : vector<1x128xf32> to vector<1152x128xf32>
    %add3A_712 = arith.addf %add3A_710, %add3A_711 : vector<1152x128xf32>
    %slice3A_713 = vector.extract_strided_slice %dot_general3A_611 {offsets = [0, 1024], sizes = [1152, 128], strides = [1, 1]} : vector<1152x2048xf32> to vector<1152x128xf32>
    %sub3A_714 = arith.subf %add3A_712, %slice3A_713 : vector<1152x128xf32>
    %lt3A_715 = arith.cmpf olt, %sub3A_714, %select_n3A_704 : vector<1152x128xf32>
    %select_n3A_716 = arith.select %lt3A_715, %sub3A_714, %select_n3A_704 : vector<1152x128xi1>, vector<1152x128xf32>
    %jit3A_717 = arith.constant 56 : i32
    %broadcast_in_dim3A_718 = vector.broadcast %jit3A_717 : i32 to vector<1152x128xi32>
    %select_n3A_719 = arith.select %lt3A_715, %broadcast_in_dim3A_718, %select_n3A_707 : vector<1152x128xi1>, vector<1152x128xi32>
    %slice3A_720 = vector.extract_strided_slice %reduce_sum3A_608 {offsets = [1152], sizes = [128], strides = [1]} : vector<2048xf32> to vector<128xf32>
    %broadcast_in_dim3A_721 = vector.shape_cast %slice3A_720 : vector<128xf32> to vector<1x128xf32>
    %add3A_722 = vector.broadcast %broadcast_in_dim3A : vector<1152x1xf32> to vector<1152x128xf32>
    %add3A_723 = vector.broadcast %broadcast_in_dim3A_721 : vector<1x128xf32> to vector<1152x128xf32>
    %add3A_724 = arith.addf %add3A_722, %add3A_723 : vector<1152x128xf32>
    %slice3A_725 = vector.extract_strided_slice %dot_general3A_611 {offsets = [0, 1152], sizes = [1152, 128], strides = [1, 1]} : vector<1152x2048xf32> to vector<1152x128xf32>
    %sub3A_726 = arith.subf %add3A_724, %slice3A_725 : vector<1152x128xf32>
    %lt3A_727 = arith.cmpf olt, %sub3A_726, %select_n3A_716 : vector<1152x128xf32>
    %select_n3A_728 = arith.select %lt3A_727, %sub3A_726, %select_n3A_716 : vector<1152x128xi1>, vector<1152x128xf32>
    %jit3A_729 = arith.constant 57 : i32
    %broadcast_in_dim3A_730 = vector.broadcast %jit3A_729 : i32 to vector<1152x128xi32>
    %select_n3A_731 = arith.select %lt3A_727, %broadcast_in_dim3A_730, %select_n3A_719 : vector<1152x128xi1>, vector<1152x128xi32>
    %slice3A_732 = vector.extract_strided_slice %reduce_sum3A_608 {offsets = [1280], sizes = [128], strides = [1]} : vector<2048xf32> to vector<128xf32>
    %broadcast_in_dim3A_733 = vector.shape_cast %slice3A_732 : vector<128xf32> to vector<1x128xf32>
    %add3A_734 = vector.broadcast %broadcast_in_dim3A : vector<1152x1xf32> to vector<1152x128xf32>
    %add3A_735 = vector.broadcast %broadcast_in_dim3A_733 : vector<1x128xf32> to vector<1152x128xf32>
    %add3A_736 = arith.addf %add3A_734, %add3A_735 : vector<1152x128xf32>
    %slice3A_737 = vector.extract_strided_slice %dot_general3A_611 {offsets = [0, 1280], sizes = [1152, 128], strides = [1, 1]} : vector<1152x2048xf32> to vector<1152x128xf32>
    %sub3A_738 = arith.subf %add3A_736, %slice3A_737 : vector<1152x128xf32>
    %lt3A_739 = arith.cmpf olt, %sub3A_738, %select_n3A_728 : vector<1152x128xf32>
    %select_n3A_740 = arith.select %lt3A_739, %sub3A_738, %select_n3A_728 : vector<1152x128xi1>, vector<1152x128xf32>
    %jit3A_741 = arith.constant 58 : i32
    %broadcast_in_dim3A_742 = vector.broadcast %jit3A_741 : i32 to vector<1152x128xi32>
    %select_n3A_743 = arith.select %lt3A_739, %broadcast_in_dim3A_742, %select_n3A_731 : vector<1152x128xi1>, vector<1152x128xi32>
    %slice3A_744 = vector.extract_strided_slice %reduce_sum3A_608 {offsets = [1408], sizes = [128], strides = [1]} : vector<2048xf32> to vector<128xf32>
    %broadcast_in_dim3A_745 = vector.shape_cast %slice3A_744 : vector<128xf32> to vector<1x128xf32>
    %add3A_746 = vector.broadcast %broadcast_in_dim3A : vector<1152x1xf32> to vector<1152x128xf32>
    %add3A_747 = vector.broadcast %broadcast_in_dim3A_745 : vector<1x128xf32> to vector<1152x128xf32>
    %add3A_748 = arith.addf %add3A_746, %add3A_747 : vector<1152x128xf32>
    %slice3A_749 = vector.extract_strided_slice %dot_general3A_611 {offsets = [0, 1408], sizes = [1152, 128], strides = [1, 1]} : vector<1152x2048xf32> to vector<1152x128xf32>
    %sub3A_750 = arith.subf %add3A_748, %slice3A_749 : vector<1152x128xf32>
    %lt3A_751 = arith.cmpf olt, %sub3A_750, %select_n3A_740 : vector<1152x128xf32>
    %select_n3A_752 = arith.select %lt3A_751, %sub3A_750, %select_n3A_740 : vector<1152x128xi1>, vector<1152x128xf32>
    %jit3A_753 = arith.constant 59 : i32
    %broadcast_in_dim3A_754 = vector.broadcast %jit3A_753 : i32 to vector<1152x128xi32>
    %select_n3A_755 = arith.select %lt3A_751, %broadcast_in_dim3A_754, %select_n3A_743 : vector<1152x128xi1>, vector<1152x128xi32>
    %slice3A_756 = vector.extract_strided_slice %reduce_sum3A_608 {offsets = [1536], sizes = [128], strides = [1]} : vector<2048xf32> to vector<128xf32>
    %broadcast_in_dim3A_757 = vector.shape_cast %slice3A_756 : vector<128xf32> to vector<1x128xf32>
    %add3A_758 = vector.broadcast %broadcast_in_dim3A : vector<1152x1xf32> to vector<1152x128xf32>
    %add3A_759 = vector.broadcast %broadcast_in_dim3A_757 : vector<1x128xf32> to vector<1152x128xf32>
    %add3A_760 = arith.addf %add3A_758, %add3A_759 : vector<1152x128xf32>
    %slice3A_761 = vector.extract_strided_slice %dot_general3A_611 {offsets = [0, 1536], sizes = [1152, 128], strides = [1, 1]} : vector<1152x2048xf32> to vector<1152x128xf32>
    %sub3A_762 = arith.subf %add3A_760, %slice3A_761 : vector<1152x128xf32>
    %lt3A_763 = arith.cmpf olt, %sub3A_762, %select_n3A_752 : vector<1152x128xf32>
    %select_n3A_764 = arith.select %lt3A_763, %sub3A_762, %select_n3A_752 : vector<1152x128xi1>, vector<1152x128xf32>
    %jit3A_765 = arith.constant 60 : i32
    %broadcast_in_dim3A_766 = vector.broadcast %jit3A_765 : i32 to vector<1152x128xi32>
    %select_n3A_767 = arith.select %lt3A_763, %broadcast_in_dim3A_766, %select_n3A_755 : vector<1152x128xi1>, vector<1152x128xi32>
    %slice3A_768 = vector.extract_strided_slice %reduce_sum3A_608 {offsets = [1664], sizes = [128], strides = [1]} : vector<2048xf32> to vector<128xf32>
    %broadcast_in_dim3A_769 = vector.shape_cast %slice3A_768 : vector<128xf32> to vector<1x128xf32>
    %add3A_770 = vector.broadcast %broadcast_in_dim3A : vector<1152x1xf32> to vector<1152x128xf32>
    %add3A_771 = vector.broadcast %broadcast_in_dim3A_769 : vector<1x128xf32> to vector<1152x128xf32>
    %add3A_772 = arith.addf %add3A_770, %add3A_771 : vector<1152x128xf32>
    %slice3A_773 = vector.extract_strided_slice %dot_general3A_611 {offsets = [0, 1664], sizes = [1152, 128], strides = [1, 1]} : vector<1152x2048xf32> to vector<1152x128xf32>
    %sub3A_774 = arith.subf %add3A_772, %slice3A_773 : vector<1152x128xf32>
    %lt3A_775 = arith.cmpf olt, %sub3A_774, %select_n3A_764 : vector<1152x128xf32>
    %select_n3A_776 = arith.select %lt3A_775, %sub3A_774, %select_n3A_764 : vector<1152x128xi1>, vector<1152x128xf32>
    %jit3A_777 = arith.constant 61 : i32
    %broadcast_in_dim3A_778 = vector.broadcast %jit3A_777 : i32 to vector<1152x128xi32>
    %select_n3A_779 = arith.select %lt3A_775, %broadcast_in_dim3A_778, %select_n3A_767 : vector<1152x128xi1>, vector<1152x128xi32>
    %slice3A_780 = vector.extract_strided_slice %reduce_sum3A_608 {offsets = [1792], sizes = [128], strides = [1]} : vector<2048xf32> to vector<128xf32>
    %broadcast_in_dim3A_781 = vector.shape_cast %slice3A_780 : vector<128xf32> to vector<1x128xf32>
    %add3A_782 = vector.broadcast %broadcast_in_dim3A : vector<1152x1xf32> to vector<1152x128xf32>
    %add3A_783 = vector.broadcast %broadcast_in_dim3A_781 : vector<1x128xf32> to vector<1152x128xf32>
    %add3A_784 = arith.addf %add3A_782, %add3A_783 : vector<1152x128xf32>
    %slice3A_785 = vector.extract_strided_slice %dot_general3A_611 {offsets = [0, 1792], sizes = [1152, 128], strides = [1, 1]} : vector<1152x2048xf32> to vector<1152x128xf32>
    %sub3A_786 = arith.subf %add3A_784, %slice3A_785 : vector<1152x128xf32>
    %lt3A_787 = arith.cmpf olt, %sub3A_786, %select_n3A_776 : vector<1152x128xf32>
    %select_n3A_788 = arith.select %lt3A_787, %sub3A_786, %select_n3A_776 : vector<1152x128xi1>, vector<1152x128xf32>
    %jit3A_789 = arith.constant 62 : i32
    %broadcast_in_dim3A_790 = vector.broadcast %jit3A_789 : i32 to vector<1152x128xi32>
    %select_n3A_791 = arith.select %lt3A_787, %broadcast_in_dim3A_790, %select_n3A_779 : vector<1152x128xi1>, vector<1152x128xi32>
    %slice3A_792 = vector.extract_strided_slice %reduce_sum3A_608 {offsets = [1920], sizes = [128], strides = [1]} : vector<2048xf32> to vector<128xf32>
    %broadcast_in_dim3A_793 = vector.shape_cast %slice3A_792 : vector<128xf32> to vector<1x128xf32>
    %add3A_794 = vector.broadcast %broadcast_in_dim3A : vector<1152x1xf32> to vector<1152x128xf32>
    %add3A_795 = vector.broadcast %broadcast_in_dim3A_793 : vector<1x128xf32> to vector<1152x128xf32>
    %add3A_796 = arith.addf %add3A_794, %add3A_795 : vector<1152x128xf32>
    %slice3A_797 = vector.extract_strided_slice %dot_general3A_611 {offsets = [0, 1920], sizes = [1152, 128], strides = [1, 1]} : vector<1152x2048xf32> to vector<1152x128xf32>
    %sub3A_798 = arith.subf %add3A_796, %slice3A_797 : vector<1152x128xf32>
    %lt3A_799 = arith.cmpf olt, %sub3A_798, %select_n3A_788 : vector<1152x128xf32>
    %select_n3A_800 = arith.select %lt3A_799, %sub3A_798, %select_n3A_788 : vector<1152x128xi1>, vector<1152x128xf32>
    %jit3A_801 = arith.constant 63 : i32
    %broadcast_in_dim3A_802 = vector.broadcast %jit3A_801 : i32 to vector<1152x128xi32>
    %select_n3A_803 = arith.select %lt3A_799, %broadcast_in_dim3A_802, %select_n3A_791 : vector<1152x128xi1>, vector<1152x128xi32>
    %mul3A = arith.constant 128 : i32
    %mul3A_804 = vector.broadcast %mul3A : i32 to vector<1152x128xi32>
    %mul3A_805 = arith.muli %select_n3A_803, %mul3A_804 : vector<1152x128xi32>
    %iota3A = tpu.iota {dimensions = array<i32: 1>} : vector<1152x128xi32>
    %add3A_806 = arith.addi %mul3A_805, %iota3A : vector<1152x128xi32>
    %reduce_min3A = arith.constant dense<0x7F800000> : vector<1152xf32>
    %reduce_min3A_807 = vector.multi_reduction <minimumf>, %select_n3A_800, %reduce_min3A [1] : vector<1152x128xf32> to vector<1152xf32>
    %broadcast_in_dim3A_808 = vector.shape_cast %reduce_min3A_807 : vector<1152xf32> to vector<1152x1xf32>
    %eq3A = vector.broadcast %broadcast_in_dim3A_808 : vector<1152x1xf32> to vector<1152x128xf32>
    %eq3A_809 = arith.cmpf oeq, %select_n3A_800, %eq3A : vector<1152x128xf32>
    %jit3A_810 = arith.constant 8192 : i32
    %broadcast_in_dim3A_811 = vector.broadcast %jit3A_810 : i32 to vector<1152x128xi32>
    %select_n3A_812 = arith.select %eq3A_809, %add3A_806, %broadcast_in_dim3A_811 : vector<1152x128xi1>, vector<1152x128xi32>
    %reduce_min3A_813 = arith.constant dense<2147483647> : vector<1152xi32>
    %reduce_min3A_814 = vector.multi_reduction <minsi>, %select_n3A_812, %reduce_min3A_813 [1] : vector<1152x128xi32> to vector<1152xi32>
    %swap3A = arith.constant 0 : index
    %swap3A_815 = arith.constant 0 : index
    %swap3A_816 = arith.constant 0 : index
    %swap3A_817 = vector.load %arg3[%swap3A, %swap3A_815, %swap3A_816] : memref<1x1x1152xi32, #tpu.memory_space<vmem>>, vector<1x1x1152xi32>
    %swap3A_818 = vector.shape_cast %swap3A_817 : vector<1x1x1152xi32> to vector<1152xi32>
    %swap3A_819 = vector.shape_cast %reduce_min3A_814 : vector<1152xi32> to vector<1x1x1152xi32>
    tpu.vector_store %arg3[%swap3A, %swap3A_815, %swap3A_816], %swap3A_819 {strides = array<i32>} : memref<1x1x1152xi32, #tpu.memory_space<vmem>>, vector<1x1x1152xi32>,
    %eq3A_820 = arith.constant 0 : i32
    %eq3A_821 = arith.cmpi eq, %arg0, %eq3A_820 : i32
    %convert_element_type3A = arith.extui %eq3A_821 : i1 to i32
    %cond3A = arith.constant 0 : i32
    %cond3A_822 = arith.cmpi ne, %convert_element_type3A, %cond3A : i32
    scf.if %cond3A_822 {
      %get3A_823 = arith.constant 0 : index
      %get3A_824 = arith.constant 0 : index
      %get3A_825 = vector.load %arg2[%get3A_823, %get3A_824] : memref<8192x64xf32, #tpu.memory_space<vmem>>, vector<8192x64xf32>
      %swap3A_826 = arith.constant 0 : index
      %swap3A_827 = arith.constant 0 : index
      %swap3A_828 = vector.load %arg4[%swap3A_826, %swap3A_827] : memref<8192x128xf32, #tpu.memory_space<vmem>>, vector<8192x64xf32>
      tpu.vector_store %arg4[%swap3A_826, %swap3A_827], %get3A_825 {strides = array<i32>} : memref<8192x128xf32, #tpu.memory_space<vmem>>, vector<8192x64xf32>,
      %broadcast_in_dim3A_829 = arith.constant 0.000000e+00 : f32
      %broadcast_in_dim3A_830 = vector.broadcast %broadcast_in_dim3A_829 : f32 to vector<8192x64xf32>
      %swap3A_831 = arith.constant 0 : index
      %swap3A_832 = arith.constant 64 : index
      %swap3A_833 = vector.load %arg4[%swap3A_831, %swap3A_832] : memref<8192x128xf32, #tpu.memory_space<vmem>>, vector<8192x64xf32>
      tpu.vector_store %arg4[%swap3A_831, %swap3A_832], %broadcast_in_dim3A_830 {strides = array<i32>} : memref<8192x128xf32, #tpu.memory_space<vmem>>, vector<8192x64xf32>,
    } else {
    }
    return
  }
  func.func @transform_0(%arg0: i32) -> (i32, i32) {
    %c0_i32 = arith.constant 0 : i32
    %c0_i32_0 = arith.constant 0 : i32
    return %arg0, %c0_i32 : i32, i32
  }
  func.func @transform_1(%arg0: i32) -> (i32, i32) {
    %c0_i32 = arith.constant 0 : i32
    %c0_i32_0 = arith.constant 0 : i32
    %c0_i32_1 = arith.constant 0 : i32
    return %c0_i32, %c0_i32_0 : i32, i32
  }
  func.func @transform_2(%arg0: i32) -> (i32, i32, i32) {
    %c0_i32 = arith.constant 0 : i32
    %c0_i32_0 = arith.constant 0 : i32
    %c0_i32_1 = arith.constant 0 : i32
    return %arg0, %c0_i32, %c0_i32_0 : i32, i32, i32
  }
  func.func @transform_3(%arg0: i32) -> (i32, i32) {
    %c0_i32 = arith.constant 0 : i32
    %c0_i32_0 = arith.constant 0 : i32
    %c0_i32_1 = arith.constant 0 : i32
    return %c0_i32, %c0_i32_0 : i32, i32
  }
}

module attributes {stable_mosaic.version = 14 : i64} {
  func.func @_loss_kernel(%arg0: i32, %arg1: memref<4608x64xf32, #tpu.memory_space<vmem>>, %arg2: memref<4608x64xf32, #tpu.memory_space<vmem>>, %arg3: memref<8192xf32, #tpu.memory_space<vmem>>, %arg4: memref<4608x64xf32, #tpu.memory_space<vmem>>, %arg5: memref<8192xf32, #tpu.memory_space<vmem>>, %arg6: memref<8x128xf32, #tpu.memory_space<vmem>>) attributes {dimension_semantics = [#tpu.dimension_semantics<arbitrary>], iteration_bounds = array<i64: 1>, scalar_prefetch = 0 : i64, scratch_operands = 0 : i64, tpu.core_type = #tpu.core_type<tc>, window_params = [{pipeline_mode = #tpu.pipeline_mode<synchronous>, transform_indices = @transform_0, window_bounds = array<i64: 4608, 64>}, {pipeline_mode = #tpu.pipeline_mode<synchronous>, transform_indices = @transform_1, window_bounds = array<i64: 4608, 64>}, {pipeline_mode = #tpu.pipeline_mode<synchronous>, transform_indices = @transform_2, window_bounds = array<i64: 8192>}, {pipeline_mode = #tpu.pipeline_mode<synchronous>, transform_indices = @transform_3, window_bounds = array<i64: 4608, 64>}, {pipeline_mode = #tpu.pipeline_mode<synchronous>, transform_indices = @transform_4, window_bounds = array<i64: 8192>}, {pipeline_mode = #tpu.pipeline_mode<synchronous>, transform_indices = @transform_5, window_bounds = array<i64: 8, 128>}]} {
    %get3A = arith.constant 0 : index
    %get3A_0 = arith.constant 0 : index
    %get3A_1 = vector.load %arg1[%get3A, %get3A_0] : memref<4608x64xf32, #tpu.memory_space<vmem>>, vector<4608x64xf32>
    %get3A_2 = arith.constant 0 : index
    %get3A_3 = arith.constant 0 : index
    %get3A_4 = vector.load %arg2[%get3A_2, %get3A_3] : memref<4608x64xf32, #tpu.memory_space<vmem>>, vector<4608x64xf32>
    %sub3A = arith.subf %get3A_4, %get3A_1 : vector<4608x64xf32>
    %add3A = arith.addf %get3A_1, %sub3A : vector<4608x64xf32>
    %swap3A = arith.constant 0 : index
    %swap3A_5 = arith.constant 0 : index
    %swap3A_6 = vector.load %arg4[%swap3A, %swap3A_5] : memref<4608x64xf32, #tpu.memory_space<vmem>>, vector<4608x64xf32>
    tpu.vector_store %arg4[%swap3A, %swap3A_5], %add3A {strides = array<i32>} : memref<4608x64xf32, #tpu.memory_space<vmem>>, vector<4608x64xf32>,
    %integer_pow3A = arith.mulf %sub3A, %sub3A : vector<4608x64xf32>
    %reduce_sum3A = vector.shape_cast %integer_pow3A : vector<4608x64xf32> to vector<1x4608x64xf32>
    %reduce_sum3A_7 = arith.constant dense<0.000000e+00> : vector<1xf32>
    %reduce_sum3A_8 = vector.multi_reduction <add>, %reduce_sum3A, %reduce_sum3A_7 [1, 2] : vector<1x4608x64xf32> to vector<1xf32>
    %reduce_sum3A_9 = vector.shape_cast %reduce_sum3A_8 : vector<1xf32> to vector<1x1x1xf32>
    %reduce_sum3A_10 = vector.extract %reduce_sum3A_9[0, 0, 0] : f32 from vector<1x1x1xf32>
    %div3A = arith.constant 2.949120e+05 : f32
    %div3A_11 = arith.divf %reduce_sum3A_10, %div3A : f32
    %get3A_12 = arith.constant 0 : index
    %get3A_13 = vector.load %arg3[%get3A_12] : memref<8192xf32, #tpu.memory_space<vmem>>, vector<8192xf32>
    %div3A_14 = arith.constant 4.608000e+03 : f32
    %div3A_15 = vector.broadcast %div3A_14 : f32 to vector<8192xf32>
    %div3A_16 = arith.divf %get3A_13, %div3A_15 : vector<8192xf32>
    %swap3A_17 = arith.constant 0 : index
    %swap3A_18 = vector.load %arg5[%swap3A_17] : memref<8192xf32, #tpu.memory_space<vmem>>, vector<8192xf32>
    tpu.vector_store %arg5[%swap3A_17], %div3A_16 {strides = array<i32>} : memref<8192xf32, #tpu.memory_space<vmem>>, vector<8192xf32>,
    %add3A_19 = arith.constant 9.99999974E-6 : f32
    %add3A_20 = vector.broadcast %add3A_19 : f32 to vector<8192xf32>
    %add3A_21 = arith.addf %div3A_16, %add3A_20 : vector<8192xf32>
    %log3A = math.log %add3A_21 : vector<8192xf32>
    %mul3A = arith.mulf %div3A_16, %log3A : vector<8192xf32>
    %reduce_sum3A_22 = vector.shape_cast %mul3A : vector<8192xf32> to vector<1x8192xf32>
    %reduce_sum3A_23 = arith.constant dense<0.000000e+00> : vector<1xf32>
    %reduce_sum3A_24 = vector.multi_reduction <add>, %reduce_sum3A_22, %reduce_sum3A_23 [1] : vector<1x8192xf32> to vector<1xf32>
    %reduce_sum3A_25 = vector.shape_cast %reduce_sum3A_24 : vector<1xf32> to vector<1x1xf32>
    %reduce_sum3A_26 = vector.extract %reduce_sum3A_25[0, 0] : f32 from vector<1x1xf32>
    %neg3A = arith.constant 0.000000e+00 : f32
    %neg3A_27 = arith.subf %neg3A, %reduce_sum3A_26 : f32
    %exp3A = math.exp %neg3A_27 : f32
    %mul3A_28 = arith.constant 2.500000e-01 : f32
    %mul3A_29 = arith.mulf %mul3A_28, %div3A_11 : f32
    %add3A_30 = arith.addf %div3A_11, %mul3A_29 : f32
    %mul3A_31 = arith.constant 1.000000e-01 : f32
    %mul3A_32 = arith.mulf %mul3A_31, %reduce_sum3A_26 : f32
    %add3A_33 = arith.addf %add3A_30, %mul3A_32 : f32
    %broadcast_in_dim3A = vector.broadcast %div3A_11 : f32 to vector<1x128xf32>
    %swap3A_34 = arith.constant 0 : index
    %swap3A_35 = arith.constant 0 : index
    %swap3A_36 = vector.load %arg6[%swap3A_34, %swap3A_35] : memref<8x128xf32, #tpu.memory_space<vmem>>, vector<1x128xf32>
    tpu.vector_store %arg6[%swap3A_34, %swap3A_35], %broadcast_in_dim3A {strides = array<i32>} : memref<8x128xf32, #tpu.memory_space<vmem>>, vector<1x128xf32>,
    %broadcast_in_dim3A_37 = vector.broadcast %reduce_sum3A_26 : f32 to vector<1x128xf32>
    %swap3A_38 = arith.constant 1 : index
    %swap3A_39 = arith.constant 0 : index
    %swap3A_40 = vector.load %arg6[%swap3A_38, %swap3A_39] : memref<8x128xf32, #tpu.memory_space<vmem>>, vector<1x128xf32>
    tpu.vector_store %arg6[%swap3A_38, %swap3A_39], %broadcast_in_dim3A_37 {strides = array<i32>} : memref<8x128xf32, #tpu.memory_space<vmem>>, vector<1x128xf32>,
    %broadcast_in_dim3A_41 = vector.broadcast %exp3A : f32 to vector<1x128xf32>
    %swap3A_42 = arith.constant 2 : index
    %swap3A_43 = arith.constant 0 : index
    %swap3A_44 = vector.load %arg6[%swap3A_42, %swap3A_43] : memref<8x128xf32, #tpu.memory_space<vmem>>, vector<1x128xf32>
    tpu.vector_store %arg6[%swap3A_42, %swap3A_43], %broadcast_in_dim3A_41 {strides = array<i32>} : memref<8x128xf32, #tpu.memory_space<vmem>>, vector<1x128xf32>,
    %broadcast_in_dim3A_45 = vector.broadcast %add3A_33 : f32 to vector<1x128xf32>
    %swap3A_46 = arith.constant 3 : index
    %swap3A_47 = arith.constant 0 : index
    %swap3A_48 = vector.load %arg6[%swap3A_46, %swap3A_47] : memref<8x128xf32, #tpu.memory_space<vmem>>, vector<1x128xf32>
    tpu.vector_store %arg6[%swap3A_46, %swap3A_47], %broadcast_in_dim3A_45 {strides = array<i32>} : memref<8x128xf32, #tpu.memory_space<vmem>>, vector<1x128xf32>,
    %broadcast_in_dim3A_49 = arith.constant 0.000000e+00 : f32
    %broadcast_in_dim3A_50 = vector.broadcast %broadcast_in_dim3A_49 : f32 to vector<4x128xf32>
    %swap3A_51 = arith.constant 4 : index
    %swap3A_52 = arith.constant 0 : index
    %swap3A_53 = vector.load %arg6[%swap3A_51, %swap3A_52] : memref<8x128xf32, #tpu.memory_space<vmem>>, vector<4x128xf32>
    tpu.vector_store %arg6[%swap3A_51, %swap3A_52], %broadcast_in_dim3A_50 {strides = array<i32>} : memref<8x128xf32, #tpu.memory_space<vmem>>, vector<4x128xf32>,
    return
  }
  func.func @transform_0(%arg0: i32) -> (i32, i32) {
    %c0_i32 = arith.constant 0 : i32
    %c0_i32_0 = arith.constant 0 : i32
    %c0_i32_1 = arith.constant 0 : i32
    return %c0_i32, %c0_i32_0 : i32, i32
  }
  func.func @transform_1(%arg0: i32) -> (i32, i32) {
    %c0_i32 = arith.constant 0 : i32
    %c0_i32_0 = arith.constant 0 : i32
    %c0_i32_1 = arith.constant 0 : i32
    return %c0_i32, %c0_i32_0 : i32, i32
  }
  func.func @transform_2(%arg0: i32) -> i32 {
    %c0_i32 = arith.constant 0 : i32
    %c0_i32_0 = arith.constant 0 : i32
    return %c0_i32 : i32
  }
  func.func @transform_3(%arg0: i32) -> (i32, i32) {
    %c0_i32 = arith.constant 0 : i32
    %c0_i32_0 = arith.constant 0 : i32
    %c0_i32_1 = arith.constant 0 : i32
    return %c0_i32, %c0_i32_0 : i32, i32
  }
  func.func @transform_4(%arg0: i32) -> i32 {
    %c0_i32 = arith.constant 0 : i32
    %c0_i32_0 = arith.constant 0 : i32
    return %c0_i32 : i32
  }
  func.func @transform_5(%arg0: i32) -> (i32, i32) {
    %c0_i32 = arith.constant 0 : i32
    %c0_i32_0 = arith.constant 0 : i32
    %c0_i32_1 = arith.constant 0 : i32
    return %c0_i32, %c0_i32_0 : i32, i32
  }
}

</mosaic_0001>

<sc_bundles>
// kernel: kernel.5.cloned.1.call-start
scs
__scs_entry_jumppad:
0x0: {  	(pc) =	sbr.rel $0x88, $3  }
0x1: {  	(tag) =	ssettag $0x0;
	lr =	simm.s32 $0x1  }
0x2: {  	[smem:$0x3F9F] =	sst lr;
	_ =	strace $0xD0000000  }
0x3: {  	_ = 	snop  }
0x4: {  	_ = 	snop  }
0x5: {  	_ = 	snop  }
0x6: {  	_ = 	snop  }
0x7: {  	_ = 	snop  }
__scs_overlays_trampoline_lowered:
0x8: {  	[smem:$0x3FAE] =	sst s0  }
0x9: {  	[smem:$0x3FAF] =	sst s1  }
0xa: {  	[smem:$0x3FB0] =	sst s2  }
0xb: {  	[smem:$0x3FB1] =	sst s3  }
0xc: {  	[smem:$0x3FB2] =	sst s4  }
0xd: {  	[smem:$0x3FB3] =	sst s5  }
0xe: {  	[smem:$0x3FB4] =	sst s6  }
0xf: {  	[smem:$0x3FB5] =	sst s7  }
0x10: {  	[smem:$0x3FB6] =	sst s8  }
0x11: {  	[smem:$0x3FB7] =	sst s9;
	s0 =	simm.s32 @!p0 $0x0  }
0x12: {  	s1 =	sld [smem:$0x3F9D];
	s0 =	simm.s32 @p0 $0x1  }
0x13: {  	[smem:$0x3FB8] =	sst s0;
	s0 =	simm.s32 @!p1 $0x0  }
0x14: {  	s2 =	sld [smem:$0x3F9C];
	s0 =	simm.s32 @p1 $0x1  }
0x15: {  	[smem:$0x3FB9] =	sst s0;
	s0 =	simm.s32 @!p2 $0x0  }
0x16: {  	s3 =	sld [smem:$0x3FDB];
	s0 =	simm.s32 @p2 $0x1  }
0x17: {  	s4 =	simm.s32 $0x1BF5;
	[smem:$0x3FBB] =	sst s0  }
0x18: {  	s0 =	sld [smem:$0x3F9E];
	_ =	swait.ge [sflag:s4], $0x0  }
0x19: {  	s7 =	sld [smem:$0x3F9F]  }
0x1a: {  	s8 =	sadd.s32 $0xFFFFE003, lr  }
0x1b: {  	s9 =	sadd.s32 $0xFFFFFEF7, lr;
	s5 =	simm.s32 $0xFFFFFFFF;
	p2 =	slt.u32 s8, $0xFFFFF086  }
0x1c: {  	p1 =	slt.u32 s9, $0xF7A;
	s5 =	simm.s32 @!p2 $0x0  }
0x1d: {  	s5 =	simm.s32 @p1 $0x1;
	p0 =	seq.s32 s7, s2  }
0x1e: {  	s7 =	smul.u32 @!p0 $0xF7A, s2;
	p2 =	seq.s32 @!p0 s5, $0x0  }
0x1f: {  	s9 =	smul.u32 $0xF7A, s1;
	s8 =	simm.s32 @!p0 $0x1BF5;
	p2 =	por !p2, p0  }
0x20: {  	[sflag:s8] =	ssyncset.s32 @!p0 $0xFFFFF086;
	s6 =	sadd.s32 @!p0 s3, s7;
	s7 =	simm.s32 @!p0 $0x108  }
0x21: {  	s3 =	sadd.s32 s3, s9;
	s6 =	sadd.s32 @!p0 $0x88, s6;
	s7 =	simm.s32 @p2 $0x1082  }
0x22: {  	[simem:s7], [sflag:s8] =	dma.local @!p0 [hbm:s6], $0xF7A  }
0x23: {  	s9 =	sor.u32 $0xD0000000, s2;
	s6 =	simm.s32 $0x108;
	_ =	swait.ge @!p0 [sflag:s8], $0x0  }
0x24: {  	s3 =	sadd.s32 $0x88, s3;
	s6 =	simm.s32 @!p1 $0x1082;
	[sflag:s4] =	ssyncset.s32 $0xFFFFF086  }
0x25: {  	[simem:s6], [sflag:s4] =	dma.local [hbm:s3], $0xF7A  }
0x26: {  	[smem:$0x3F9F] =	sst s1;
	(tag) =	ssettag s2;
	_ =	strace s9  }
0x27: {  	s1 =	sld [smem:$0x3FAF]  }
0x28: {  	s2 =	sld [smem:$0x3FB0]  }
0x29: {  	s4 =	sld [smem:$0x3FB2]  }
0x2a: {  	p0 =	seq.s32 s5, $0x0;
	s5 =	sld [smem:$0x3FB3]  }
0x2b: {  	s6 =	sld [smem:$0x3FB4]  }
0x2c: {  	s7 =	sld [smem:$0x3FB5]  }
0x2d: {  	s3 =	simm.s32 $0x108;
	s8 =	sld [smem:$0x3FB6]  }
0x2e: {  	s3 =	simm.s32 @!p0 $0x1082;
	s9 =	sld [smem:$0x3FB7]  }
0x2f: {  	lr =	sadd.s32 s0, s3;
	s0 =	sld [smem:$0x3FAE]  }
0x30: {  	s3 =	sld [smem:$0x3FB1]  }
0x31: {  	[smem:$0x3FBA] =	sst s10  }
0x32: {  	s10 =	sld [smem:$0x3FB8];
	_ =	sdelay $0x3  }
0x33: {  	p0 =	seq.s32 s10, $0x1;
	s10 =	sld [smem:$0x3FBA];
	_ =	sdelay $0x3  }
0x34: {  	[smem:$0x3FBA] =	sst s10  }
0x35: {  	s10 =	sld [smem:$0x3FB9];
	_ =	sdelay $0x3  }
0x36: {  	p1 =	seq.s32 s10, $0x1;
	s10 =	sld [smem:$0x3FBA];
	_ =	sdelay $0x3  }
0x37: {  	[smem:$0x3FBA] =	sst s10  }
0x38: {  	s10 =	sld [smem:$0x3FBB]  }
0x39: {  	_ = 	snop;
	(pc) =	sbr.ind lr, $3  }
0x3a: {  	_ = 	snop  }
0x3b: {  	_ = 	snop  }
0x3c: {  	p2 =	seq.s32 s10, $0x1;
	s10 =	sld [smem:$0x3FBA]  }
0x3d: {  	_ =	shalt  }
0x3e: {  	_ =	shalt  }
0x3f: {  	_ =	shalt  }
0x40: {  	_ =	shalt  }
0x41: {  	_ =	shalt  }
0x42: {  	_ =	shalt  }
0x43: {  	_ =	shalt  }
0x44: {  	_ =	shalt  }
0x45: {  	_ =	shalt  }
0x46: {  	_ =	shalt  }
0x47: {  	_ =	shalt  }
0x48: {  	_ =	shalt  }
0x49: {  	_ =	shalt  }
0x4a: {  	_ =	shalt  }
0x4b: {  	_ =	shalt  }
0x4c: {  	_ =	shalt  }
0x4d: {  	_ =	shalt  }
0x4e: {  	_ =	shalt  }
0x4f: {  	_ =	shalt  }
0x50: {  	_ =	shalt  }
0x51: {  	_ =	shalt  }
0x52: {  	_ =	shalt  }
0x53: {  	_ =	shalt  }
0x54: {  	_ =	shalt  }
0x55: {  	_ =	shalt  }
0x56: {  	_ =	shalt  }
0x57: {  	_ =	shalt  }
0x58: {  	_ =	shalt  }
0x59: {  	_ =	shalt  }
0x5a: {  	_ =	shalt  }
0x5b: {  	_ =	shalt  }
0x5c: {  	_ =	shalt  }
0x5d: {  	_ =	shalt  }
0x5e: {  	_ =	shalt  }
0x5f: {  	_ =	shalt  }
0x60: {  	_ =	shalt  }
0x61: {  	_ =	shalt  }
0x62: {  	_ =	shalt  }
0x63: {  	_ =	shalt  }
0x64: {  	_ =	shalt  }
0x65: {  	_ =	shalt  }
0x66: {  	_ =	shalt  }
0x67: {  	_ =	shalt  }
0x68: {  	_ =	shalt  }
0x69: {  	_ =	shalt  }
0x6a: {  	_ =	shalt  }
0x6b: {  	_ =	shalt  }
0x6c: {  	_ =	shalt  }
0x6d: {  	_ =	shalt  }
0x6e: {  	_ =	shalt  }
0x6f: {  	_ =	shalt  }
0x70: {  	_ =	shalt  }
0x71: {  	_ =	shalt  }
0x72: {  	_ =	shalt  }
0x73: {  	_ =	shalt  }
0x74: {  	_ =	shalt  }
0x75: {  	_ =	shalt  }
0x76: {  	_ =	shalt  }
0x77: {  	_ =	shalt  }
0x78: {  	_ =	shalt  }
0x79: {  	_ =	shalt  }
0x7a: {  	_ =	shalt  }
0x7b: {  	_ =	shalt  }
0x7c: {  	_ =	shalt  }
0x7d: {  	_ =	shalt  }
0x7e: {  	_ =	shalt  }
0x7f: {  	_ =	shalt  }
0x80: {  	_ =	shalt  }
0x81: {  	_ =	shalt  }
0x82: {  	_ =	shalt  }
0x83: {  	_ =	shalt  }
0x84: {  	_ =	shalt  }
0x85: {  	_ =	shalt  }
0x86: {  	_ =	shalt  }
0x87: {  	_ =	shalt  }
.Lfunc_end0:
.L_simem_size_0:
called_computation_lowered:
.L_overlay_start_0:
0x88: {  	s2 =	sld [smem:$0x3FD9]  }
0x89: {  	s3 =	sld [smem:$0x3FFE];
	_ =	sdelay $0x1  }
0x8a: {  	s1 =	srdreg.scid  }
0x8b: {  	s0 =	sand.u32 $0x1, s1  }
0x8c: {  	s14 =	sshll.u32 s0, $0xA;
	s2 =	sadd.s32 s3, s2  }
0x8d: {  	s2 =	sadd.s32 s2, s14  }
0x8e: {  	[smem:$0x3FC6] =	sst s2  }
0x8f: {  	_ = 	snop  }
0x90: {  	s2 =	sld [smem:$0x3FD0];
	_ =	sdelay $0x2  }
0x91: {  	s15 =	simm.s32 $0xA;
	s4 =	simm.s32 $0x10  }
0x92: {  	[smem:s4], [sflag:s15] =	dma.local [hbm:s2], $0x1  }
0x93: {  	_ =	swait.eq [sflag:s15], $0x1  }
0x94: {  	[sflag:s15] =	ssyncset.done $0x0  }
0x95: {  	s16 =	sld [smem:$0x10];
	[sflag:s15] =	ssyncadd.s32 $0xFFFFFFFF  }
0x96: {  	s17 =	sld [smem:$0x17];
	(tm) =	ssettm $0x1  }
0x97: {  	s18 =	sld [smem:$0x3FFB];
	_ =	sdelay $0x3  }
0x98: {  	_ =	strace s18  }
0x99: {  	s4 =	sld [smem:$0x3FFC];
	_ =	sdelay $0x3  }
0x9a: {  	_ =	strace s4  }
0x9b: {  	s4 =	sld [smem:$0x3FFD];
	_ =	sdelay $0x3  }
0x9c: {  	_ =	strace s4  }
0x9d: {  	_ =	strace $0x8FFFFFFF  }
0x9e: {  	s19 =	sld [smem:$0x3FDB];
	_ =	sdelay $0x1  }
0x9f: {  	s5 =	simm.s32 $_scs_section_size  }
0xa0: {  	s6 =	simm.s32 $_size__tile_overlayer_lowered;
	s7 =	simm.s32 $_tile_overlayer_lowered  }
0xa1: {  	s22 =	simm.s32 $0x1BFF;
	s21 =	sshll.u32 s7, $0x1;
	s4 =	sadd.s32 s5, s19  }
0xa2: {  	s8 =	simm.s32 $0x0;
	s20 =	sshll.u32 s6, $0x1;
	s6 =	sadd.s32 s21, s4  }
0xa3: {  	[timem:s8], [sflag:s22] =	dma.local [hbm:s6], s20  }
0xa4: {  	_ =	swait.ge [sflag:s22], s20  }
0xa5: {  	s5 =	ssub.s32 $0x0, s20;
	[sflag:s22] =	ssyncset.done $0x0  }
0xa6: {  	[sflag:s22] =	ssyncadd.s32 s5;
	_ =	sdelay $0x1  }
0xa7: {  	s23 =	simm.s32 $0x1B8B  }
0xa8: {  	_ =	swait.ge [sflag:s23], $0x1  }
0xa9: {  	[sflag:s23] =	ssyncset.done $0x0  }
0xaa: {  	s25 =	simm.s32 $0x1B8E;
	s24 =	sld [smem:$0x3FFE];
	[sflag:s23] =	ssyncadd.s32 $0xFFFFFFFF  }
0xab: {  	s26 =	simm.s32 $execute0_lowered;
	[smem:$0x3FD2] =	sst s25  }
0xac: {  	s6 =	sshll.u32 s26, $0x1;
	_ =	strace $0x80000046;
	[dreg:$0x1] =	wrdreg $0xFFFFFFFF  }
0xad: {  	s28 =	simm.s32 $_size_execute0_lowered;
	s4 =	sadd.s32 s4, s6;
	[dreg:$0x0] =	wrdreg $0x0  }
0xae: {  	s6 =	sshll.u32 s28, $0x1;
	[dreg:$0x2] =	wrdreg s4  }
0xaf: {  	[dreg:$0x3] =	wrdreg s6  }
0xb0: {  	[dreg:$0x4] =	wrdreg $0xC0  }
0xb1: {  	_ =	task [dreg:s8], $0x5FFFF  }
0xb2: {  	[dreg:$0x1] =	wrdreg $0xFFFFFFFF  }
0xb3: {  	[dreg:$0x0] =	wrdreg $0x60  }
0xb4: {  	[dreg:$0x2] =	wrdreg s24  }
0xb5: {  	[dreg:$0x3] =	wrdreg s16  }
0xb6: {  	[dreg:$0x4] =	wrdreg s17  }
0xb7: {  	[dreg:$0x5] =	wrdreg $0x9  }
0xb8: {  	_ =	task.clear_ibuf [dreg:s8], $0x6FFFF;
	_ =	strace $0x90000046  }
0xb9: {  	s29 =	simm.s32 $0x9;
	_ =	strace $0x80000048  }
0xba: {  	_ =	swait.ge [sflag:s29], $0x1  }
0xbb: {  	[sflag:s29] =	ssyncadd.s32 $0xFFFFFFFF  }
0xbc: {  	_ =	strace $0x90000048  }
0xbd: {  	_ =	sfence  }
0xbe: {  	s30 =	sld [smem:$0x0];
	_ =	sdelay $0x2  }
0xbf: {  	s31 =	sshll.u32 s1, $0xD;
	s1 =	sshrl.u32 s1, $0x2  }
0xc0: {  	s3 =	sand.u32 $0x4000, s31;
	s1 =	sadd.s32 s1, s30  }
0xc1: {  	s0 =	sor.u32 s3, s0;
	s1 =	sshll.u32 s1, $0x11  }
0xc2: {  	s0 =	sor.u32 s1, s0  }
0xc3: {  	s0 =	sadd.s32 $0x8F2B, s0  }
0xc4: {  	[sflag:s0] =	ssyncadd.remote.s32 $0x1  }
0xc5: {  	_ =	sfence.sel $0xFFFF  }
0xc6: {  	[dreg:$0x0] =	wrdreg $0xFFFFFFFF;
	(pc) =	sbr.abs _section_cstart, $3  }
0xc7: {  	[dreg:$0x1] =	wrdreg $0xFFFFFFFF  }
0xc8: {  	_ =	task.clear_ibuf [dreg:s8], $0x2FFFF;
	_ =	strace $0x9FFFFFFF  }
0xc9: {  	(tm) =	ssettm $0x7FFFFFFF  }
tec
execute0_lowered:
.L_overlay_start_1:
0x0: {  	(tag) =	ssettag $0x1  }
0x1: {  	s5 =	rddreg [dreg:$0x0]  }
0x2: {  	s2 =	rddreg [dreg:$0x1]  }
0x3: {  	s1 =	srdreg.scid;
	s0 =	stileid.u32  }
0x4: {  	s9 =	rddreg [dreg:$0x2];
	s3 =	simm.s32 $0x0;
	s13 =	simm.s32 $0x48  }
0x5: {  	s14 =	simm.s32 $0x100;
	s15 =	simm.s32 $0x2500;
	s16 =	simm.s32 $0x4900  }
0x6: {  	s18 =	simm.s32 $0x5B00;
	s4 =	sand.u32 $0x1, s1;
	s1 =	rddreg [dreg:$0x3]  }
0x7: {  	s19 =	simm.s32 $0x0;
	s6 =	sshll.u32 s0, $0x1;
	[smem:$0x7FF] =	sst s3  }
0x8: {  	s11 =	sadd.s32 $0x21200, s5;
	s10 =	sor.u32 s4, s6;
	s25 =	ssub.s32 $0x2, s4  }
0x9: {  	_ =	strace $0x80000047;
	s4 =	sadd.s32 $0x1200, s5;
	s7 =	smul.u32 $0x90, s10  }
0xa: {  	s8 =	sshrl.u32 s25, $0x1;
	s30 =	smul.u32 $0x900, s10;
	s31 =	sshll.u32 s10, $0x5  }
0xb: {  	s17 =	sshll.u32 s10, $0x8;
	s12 =	ssub.s32 s25, s8;
	s9 =	sadd.s32 s9, s31  }
0xc: {  	v0 =	vmov s17;
	s17 =	simm.s32 $0x1;
	s26 =	sadd.s32 $0x48, s7;
	s28 =	sshrl.u32 s7, $0x3  }
0xd: {  	s7 =	sadd.s32 s11, s30;
	s10 =	smax.u32 s12, $0x1;
	s12 =	simm.s32 $0x80  }
0xe: {  	s29 =	sshrl.u32 s26, $0x3;
	s5 =	sadd.s32 s2, s28;
	s8 =	sshll.u32 s26, $0x4  }
0xf: {  	v1 =	vimm.f32 $0.0e+00;
	v2 =	vimm.f32 $1.000000000e+00;
	s6 =	sadd.s32 s2, s29;
	s8 =	sadd.s32 s11, s8;
	s11 =	simm.s32 $0x2  }
.LBB2_1:
0x10: {  	[tilespmem:s3], [sflag:$0x2] =	stream.linear.gather [hbm4b:s5+s3], $0x48, $0x38;
	[tilespmem:$0x5C00] =	vst v63  }
0x11: {  	_ =	swait.ge [sflag:s11], $0x48  }
0x12: {  	[sflag:s11] =	ssyncset.done $0x0  }
0x13: {  	[sflag:s11] =	ssyncadd.s32 $0xFFFFFFB8  }
0x14: {  	[tilespmem:s12], [sflag:$0x2] =	stream.linear.gather [hbm4b:s6+s3], $0x48, $0x38;
	[tilespmem:$0x5C00] =	vst v63  }
0x15: {  	_ =	swait.ge [sflag:s11], $0x48  }
0x16: {  	[sflag:s11] =	ssyncset.done $0x0  }
0x17: {  	[sflag:s11] =	ssyncadd.s32 $0xFFFFFFB8  }
0x18: {  	[tilespmem:s14], [sflag:$0x1] =	stream.indirect.gather [hbm4b:s4+s13], $0x80, s3, s13, $0xb8;
	[tilespmem:$0x5C00] =	vst v63  }
0x19: {  	_ = 	snop  }
0x1a: {  	[tilespmem:s15], [sflag:$0x1] =	stream.indirect.gather [hbm4b:s4+s13], $0x80, s12, s13, $0xb8;
	[tilespmem:$0x5C00] =	vst v63  }
0x1b: {  	_ = 	snop  }
0x1c: {  	[tilespmem:s16], [sflag:$0x2] =	stream.linear.gather [hbm4b:s2+s3], $0x1200, $0x38;
	[tilespmem:$0x5C00] =	vst v63  }
0x1d: {  	_ =	swait.ge [sflag:s11], $0x1200  }
0x1e: {  	[sflag:s11] =	ssyncset.done $0x0  }
0x1f: {  	[sflag:s11] =	ssyncadd.s32 $0xFFFFEE00  }
0x20: {  	_ =	swait.ge [sflag:s17], $0x2400  }
0x21: {  	[sflag:s17] =	ssyncset.done $0x0  }
0x22: {  	[sflag:s17] =	ssyncadd.s32 $0xFFFFDC00  }
0x23: {  	_ =	swait.ge [sflag:s17], $0x2400  }
0x24: {  	[sflag:s17] =	ssyncset.done $0x0  }
0x25: {  	[sflag:s17] =	ssyncadd.s32 $0xFFFFDC00  }
0x26: {  	[hbm4b:s7+s3] =	stream.linear.scatter [tilespmem:s14], [sflag:$0x2], $0x2400, $0x38;
	[tilespmem:$0x5C00] =	vst v63  }
0x27: {  	_ =	swait.ge [sflag:s11], $0x2400  }
0x28: {  	[sflag:s11] =	ssyncset.done $0x0  }
0x29: {  	[sflag:s11] =	ssyncadd.s32 $0xFFFFDC00  }
0x2a: {  	[hbm4b:s8+s3] =	stream.linear.scatter [tilespmem:s15], [sflag:$0x2], $0x2400, $0x38;
	[tilespmem:$0x5C00] =	vst v63  }
0x2b: {  	_ =	swait.ge [sflag:s11], $0x2400  }
0x2c: {  	[sflag:s11] =	ssyncset.done $0x0  }
0x2d: {  	[sflag:s11] =	ssyncadd.s32 $0xFFFFDC00  }
0x2e: {  	[tilespmem:$0x5B00] =	vst v1  }
0x2f: {  	[tilespmem:$0x5B10] =	vst v1  }
0x30: {  	[tilespmem:$0x5B20] =	vst v1  }
0x31: {  	[tilespmem:$0x5B30] =	vst v1  }
0x32: {  	[tilespmem:$0x5B40] =	vst v1  }
0x33: {  	[tilespmem:$0x5B50] =	vst v1  }
0x34: {  	[tilespmem:$0x5B60] =	vst v1  }
0x35: {  	[tilespmem:$0x5B70] =	vst v1  }
0x36: {  	[tilespmem:$0x5B80] =	vst v1  }
0x37: {  	[tilespmem:$0x5B90] =	vst v1  }
0x38: {  	[tilespmem:$0x5BA0] =	vst v1  }
0x39: {  	[tilespmem:$0x5BB0] =	vst v1  }
0x3a: {  	[tilespmem:$0x5BC0] =	vst v1  }
0x3b: {  	[tilespmem:$0x5BD0] =	vst v1  }
0x3c: {  	[tilespmem:$0x5BE0] =	vst v1  }
0x3d: {  	s20 =	simm.s32 $0x0;
	[tilespmem:$0x5BF0] =	vst v1  }
.LBB2_2:
0x3e: {  	s21 =	sshra.s32 s20, $0x2  }
0x3f: {  	v3 =	vld [tilespmem:s21+$0x4900];
	_ =	sdelay $0x4  }
0x40: {  	v3 =	vsub.s32 v3, v0  }
0x41: {  	vm0 =	vgt.s32 v3, $0x0  }
0x42: {  	vm1 =	vlt.u32 v3, $0x100;
	v3 =	vnsel vm0, $0x0, v3  }
0x43: {  	v3 =	vmin.u32 v3, $0xFF;
	_ =	sdelay $0x4  }
0x44: {  	[tilespmem:v3+s18+$0x0] =	vst.idx.add.f32.msk vm1, v2  }
0x45: {  	v3 =	vld [tilespmem:s21+$0x4910];
	_ =	sdelay $0x4  }
0x46: {  	v3 =	vsub.s32 v3, v0  }
0x47: {  	vm14 =	vgt.s32 v3, $0x0  }
0x48: {  	vm15 =	vlt.u32 v3, $0x100;
	v3 =	vnsel vm14, $0x0, v3  }
0x49: {  	v3 =	vmin.u32 v3, $0xFF;
	_ =	sdelay $0x4  }
0x4a: {  	[tilespmem:v3+s18+$0x0] =	vst.idx.add.f32.msk vm15, v2  }
0x4b: {  	v3 =	vld [tilespmem:s21+$0x4920];
	_ =	sdelay $0x4  }
0x4c: {  	v3 =	vsub.s32 v3, v0  }
0x4d: {  	vm4 =	vgt.s32 v3, $0x0  }
0x4e: {  	vm5 =	vlt.u32 v3, $0x100;
	v3 =	vnsel vm4, $0x0, v3  }
0x4f: {  	v3 =	vmin.u32 v3, $0xFF;
	_ =	sdelay $0x4  }
0x50: {  	[tilespmem:v3+s18+$0x0] =	vst.idx.add.f32.msk vm5, v2  }
0x51: {  	v3 =	vld [tilespmem:s21+$0x4930];
	_ =	sdelay $0x4  }
0x52: {  	v3 =	vsub.s32 v3, v0  }
0x53: {  	vm6 =	vgt.s32 v3, $0x0  }
0x54: {  	vm7 =	vlt.u32 v3, $0x100;
	v3 =	vnsel vm6, $0x0, v3  }
0x55: {  	v3 =	vmin.u32 v3, $0xFF;
	_ =	sdelay $0x4  }
0x56: {  	[tilespmem:v3+s18+$0x0] =	vst.idx.add.f32.msk vm7, v2  }
0x57: {  	v3 =	vld [tilespmem:s21+$0x4940];
	_ =	sdelay $0x4  }
0x58: {  	v3 =	vsub.s32 v3, v0  }
0x59: {  	vm8 =	vgt.s32 v3, $0x0  }
0x5a: {  	vm9 =	vlt.u32 v3, $0x100;
	v3 =	vnsel vm8, $0x0, v3  }
0x5b: {  	v3 =	vmin.u32 v3, $0xFF;
	_ =	sdelay $0x4  }
0x5c: {  	[tilespmem:v3+s18+$0x0] =	vst.idx.add.f32.msk vm9, v2  }
0x5d: {  	v3 =	vld [tilespmem:s21+$0x4950];
	_ =	sdelay $0x4  }
0x5e: {  	v3 =	vsub.s32 v3, v0  }
0x5f: {  	vm10 =	vgt.s32 v3, $0x0  }
0x60: {  	vm11 =	vlt.u32 v3, $0x100;
	v3 =	vnsel vm10, $0x0, v3  }
0x61: {  	v3 =	vmin.u32 v3, $0xFF;
	_ =	sdelay $0x4  }
0x62: {  	[tilespmem:v3+s18+$0x0] =	vst.idx.add.f32.msk vm11, v2  }
0x63: {  	v3 =	vld [tilespmem:s21+$0x4960];
	_ =	sdelay $0x4  }
0x64: {  	v3 =	vsub.s32 v3, v0  }
0x65: {  	vm12 =	vgt.s32 v3, $0x0  }
0x66: {  	vm13 =	vlt.u32 v3, $0x100;
	v3 =	vnsel vm12, $0x0, v3  }
0x67: {  	v3 =	vmin.u32 v3, $0xFF;
	_ =	sdelay $0x4  }
0x68: {  	[tilespmem:v3+s18+$0x0] =	vst.idx.add.f32.msk vm13, v2  }
0x69: {  	v3 =	vld [tilespmem:s21+$0x4970];
	_ =	sdelay $0x4  }
0x6a: {  	v3 =	vsub.s32 v3, v0  }
0x6b: {  	vm14 =	vgt.s32 v3, $0x0  }
0x6c: {  	vm15 =	vlt.u32 v3, $0x100;
	v3 =	vnsel vm14, $0x0, v3  }
0x6d: {  	p0 =	sne.s32 s20, $0x4600;
	v3 =	vmin.u32 v3, $0xFF  }
.Ltmp0:
0x6e: {  	_ = 	snop;
	(pc) =	sbr.rel @p0 .LBB2_2-.Ltmp0, $2  }
0x6f: {  	_ =	sdelay $0x2  }
0x70: {  	s20 =	sadd.s32 $0x200, s20;
	[tilespmem:v3+s18+$0x0] =	vst.idx.add.f32.msk vm15, v2  }
0x71: {  	s19 =	sadd.s32 $0x1, s19  }
0x72: {  	p0 =	sne.s32 s19, s10  }
.Ltmp1:
0x73: {  	_ = 	snop;
	(pc) =	sbr.rel @p0 .LBB2_1-.Ltmp1, $4  }
0x74: {  	[hbm4b:s9+s3] =	stream.linear.scatter [tilespmem:s18], [sflag:$0x2], $0x100, $0x38;
	[tilespmem:$0x5C00] =	vst v63  }
0x75: {  	_ =	swait.ge [sflag:s11], $0x100  }
0x76: {  	[sflag:s11] =	ssyncset.done $0x0  }
0x77: {  	[sflag:s11] =	ssyncadd.s32 $0xFFFFFF00  }
0x78: {  	_ =	sfence.sel $0x180000  }
0x79: {  	[bflag:$0x0] =	sbarrier.arrive $0xFFFF  }
0x7a: {  	p0 =	sne.s32 s0, $0x0;
	_ =	strace $0x90000047  }
0x7b: {  	s0 =	sadd.s32 @!p0 $0x100000, s1;
	[bflag:$0x2] =	sbarrier.arrive $0xFFFF  }
0x7c: {  	[sflag:s0] =	ssyncadd.tile.s32 @!p0 $0x1;
	_ =	shalt  }
.Lfunc_end2:
_tile_overlayer_lowered:
.L_overlay_start_2:
0x7d: {  	(tag) =	ssettag $0x2  }
0x7e: {  	s0 =	rddreg [dreg:$0x0];
	s2 =	stileid.u32  }
0x7f: {  	s1 =	rddreg [dreg:$0x1];
	p0 =	sne.s32 s2, $0x0  }
0x80: {  	s3 =	rddreg [dreg:$0x2];
	[bflag:$0x3] =	sbarrier.arrive $0xFFFF;
	s2 =	simm.s32 @!p0 $0x1C02  }
0x81: {  	[timem:s3], [sflag:s2] =	dma.local @!p0 [hbm:s0], s1  }
0x82: {  	s0 =	simm.s32 @!p0 $0x2  }
0x83: {  	_ =	swait.ge @!p0 [sflag:s0], s1  }
0x84: {  	s1 =	ssub.s32 @!p0 $0x0, s1;
	[sflag:s0] =	ssyncset.done @!p0 $0x0  }
0x85: {  	[sflag:s0] =	ssyncadd.s32 @!p0 s1  }
0x86: {  	[bflag:$0x3] =	sbarrier.arrive $0xFFFF  }
0x87: {  	_ =	shalt  }

</sc_bundles>
